<compile_context>
chip_gen: v7x
topology: tpu7x:2x2x1
jax: 0.10.2.dev20260603
libtpu: 0.0.44.dev20260713+nightly
codegen_flags: <defaults>
</compile_context>

<pallas_src>
import functools

import jax
import jax.numpy as jnp
from jax.experimental import pallas as pl
from jax.experimental.pallas import tpu as pltpu
from jax.experimental.pallas import tpu_sc as plsc

B, T, D = 2, 2048, 1024
NR, NS, TOPK = 16, 2, 2
DH = D // 2
M = B * T
TM1 = 512
NJ = M // TM1
TMG = 512
NT = 32
NTP = 40
XROWS = NT * TMG
NC, NSC = 2, 16
NW = NC * NSC
CHUNK = M // NW
HCH = CHUNK // 2


def _sc_mesh():
    return plsc.VectorSubcoreMesh(
        core_axis_name="c", subcore_axis_name="s",
        num_cores=NC, num_subcores=NSC)


def _pack(bf):
    lo = jax.lax.bitcast_convert_type(bf[:, :DH], jnp.uint16).astype(jnp.uint32)
    hi = jax.lax.bitcast_convert_type(bf[:, DH:], jnp.uint16).astype(jnp.uint32)
    return jax.lax.bitcast_convert_type((hi << 16) | lo, jnp.int32)


def _unpack(pk):
    w = jax.lax.bitcast_convert_type(pk, jnp.uint32)
    lo = jax.lax.bitcast_convert_type((w & 0xFFFF).astype(jnp.uint16),
                                      jnp.bfloat16)
    hi = jax.lax.bitcast_convert_type((w >> 16).astype(jnp.uint16),
                                      jnp.bfloat16)
    return lo, hi



def _k1a_body(cent_ref, ws_ref, br_ref, bs_ref, u_ref,
              base_ref, gmat_ref, cnt_ref, upk_ref, wsbf_ref):
    j = pl.program_id(0)

    @pl.when(j == 0)
    def _():
        wsbf_ref[...] = (ws_ref[0] + ws_ref[1]).astype(jnp.bfloat16)

    u = u_ref[...]
    s = jax.nn.sigmoid(
        jnp.dot(u, cent_ref[...], preferred_element_type=jnp.float32))
    idx = jax.lax.broadcasted_iota(jnp.int32, s.shape, 1)
    m1 = jnp.max(s, axis=1, keepdims=True)
    i1 = jnp.min(jnp.where(s == m1, idx, NR), axis=1, keepdims=True)
    s2 = jnp.where(idx == i1, -jnp.inf, s)
    m2 = jnp.max(s2, axis=1, keepdims=True)
    i2 = jnp.min(jnp.where(s2 == m2, idx, NR), axis=1, keepdims=True)
    keep = (idx == i1) | (idx == i2)
    gmat = jnp.where(keep, s, 0.0)
    gmat_ref[...] = gmat
    cnt_ref[0] = jnp.sum(keep.astype(jnp.float32), axis=0, keepdims=True)

    ubf = u.astype(jnp.bfloat16)
    upk_ref[...] = _pack(ubf)

    bsum = bs_ref[0:1, :] + bs_ref[1:2, :]
    acc = u + bsum + jnp.dot(gmat, br_ref[...],
                             preferred_element_type=jnp.float32)
    acc = acc + jax.lax.dot_general(
        ubf, wsbf_ref[...], (((1,), (1,)), ((), ())),
        preferred_element_type=jnp.float32)
    base_ref[...] = acc.astype(jnp.bfloat16)


def _k1a(uf, centT, Ws, br, bs):
    return pl.pallas_call(
        _k1a_body,
        grid=(NJ,),
        in_specs=[
            pl.BlockSpec((D, NR), lambda j: (0, 0)),
            pl.BlockSpec((NS, D, D), lambda j: (0, 0, 0)),
            pl.BlockSpec((NR, D), lambda j: (0, 0)),
            pl.BlockSpec((NS, D), lambda j: (0, 0)),
            pl.BlockSpec((TM1, D), lambda j: (j, 0)),
        ],
        out_specs=[
            pl.BlockSpec((TM1, D), lambda j: (j, 0)),
            pl.BlockSpec((TM1, NR), lambda j: (j, 0)),
            pl.BlockSpec((1, 1, NR), lambda j: (j, 0, 0)),
            pl.BlockSpec((TM1, DH), lambda j: (j, 0)),
        ],
        out_shape=[
            jax.ShapeDtypeStruct((M, D), jnp.bfloat16),
            jax.ShapeDtypeStruct((M, NR), jnp.float32),
            jax.ShapeDtypeStruct((NJ, 1, NR), jnp.float32),
            jax.ShapeDtypeStruct((M, DH), jnp.int32),
        ],
        scratch_shapes=[pltpu.VMEM((D, D), jnp.bfloat16)],
    )(centT, Ws, br, bs, uf)



def _k1b_body(cnt_ref, tril_ref, gmat_ref, pos0_ref, pos1_ref, v0_ref, v1_ref,
              gm_ref, off_ref, run_ref):
    j = pl.program_id(0)

    @pl.when(j == 0)
    def _():
        cnt = jnp.sum(cnt_ref[...], axis=0)
        padded = ((cnt.astype(jnp.int32) + (TMG - 1)) // TMG) * TMG
        r16 = jax.lax.broadcasted_iota(jnp.int32, (NR, NR), 0)
        c16 = jax.lax.broadcasted_iota(jnp.int32, (NR, NR), 1)
        tri = (r16 <= c16).astype(jnp.float32)
        incl = jnp.dot(padded.astype(jnp.float32), tri,
                       preferred_element_type=jnp.float32).astype(jnp.int32)
        off_ref[...] = (incl - padded).astype(jnp.float32)
        run_ref[...] = jnp.zeros_like(run_ref)
        wio = jax.lax.broadcasted_iota(jnp.int32, (NTP, NR), 0)
        gm = jnp.sum((incl <= wio * TMG).astype(jnp.int32),
                     axis=1, keepdims=True)
        used = incl[0, NR - 1] // TMG
        gm = jnp.minimum(gm, NR - 1)
        gmio = jax.lax.broadcasted_iota(jnp.int32, (NTP, 1), 0)
        gm_ref[...] = jnp.where(gmio == NT, used, gm)

    gmat = gmat_ref[...]
    a = (gmat > 0.0).astype(jnp.float32)
    r16 = jax.lax.broadcasted_iota(jnp.int32, (NR, NR), 0)
    c16 = jax.lax.broadcasted_iota(jnp.int32, (NR, NR), 1)
    tri16 = (r16 <= c16).astype(jnp.float32)
    lcum = jnp.dot(a, tri16, preferred_element_type=jnp.float32)
    a0 = a * (lcum == 1.0)
    a1 = a * (lcum == 2.0)
    cum = jnp.dot(tril_ref[...], a, preferred_element_type=jnp.float32)
    excl = cum - a
    pmat = off_ref[...] + run_ref[...] + excl
    pos0_ref[...] = jnp.sum(a0 * pmat, axis=1, keepdims=True).astype(jnp.int32)
    pos1_ref[...] = jnp.sum(a1 * (pmat + a0), axis=1,
                            keepdims=True).astype(jnp.int32)
    v0_ref[...] = jnp.sum(a0 * gmat, axis=1, keepdims=True)
    v1_ref[...] = jnp.sum(a1 * gmat, axis=1, keepdims=True)
    run_ref[...] = run_ref[...] + jnp.sum(a, axis=0, keepdims=True)


def _k1b(cnt3, tril, gmat):
    return pl.pallas_call(
        _k1b_body,
        grid=(NJ,),
        in_specs=[
            pl.BlockSpec((NJ, 1, NR), lambda j: (0, 0, 0)),
            pl.BlockSpec((TM1, TM1), lambda j: (0, 0)),
            pl.BlockSpec((TM1, NR), lambda j: (j, 0)),
        ],
        out_specs=[
            pl.BlockSpec((TM1, 1), lambda j: (j, 0)),
            pl.BlockSpec((TM1, 1), lambda j: (j, 0)),
            pl.BlockSpec((TM1, 1), lambda j: (j, 0)),
            pl.BlockSpec((TM1, 1), lambda j: (j, 0)),
            pl.BlockSpec((NTP, 1), lambda j: (0, 0)),
        ],
        out_shape=[
            jax.ShapeDtypeStruct((M, 1), jnp.int32),
            jax.ShapeDtypeStruct((M, 1), jnp.int32),
            jax.ShapeDtypeStruct((M, 1), jnp.float32),
            jax.ShapeDtypeStruct((M, 1), jnp.float32),
            jax.ShapeDtypeStruct((NTP, 1), jnp.int32),
        ],
        scratch_shapes=[
            pltpu.VMEM((1, NR), jnp.float32),
            pltpu.VMEM((1, NR), jnp.float32),
        ],
    )(cnt3, tril, gmat)



def _sc_scatter(upk, pos0, pos1):
    @functools.partial(
        pl.kernel,
        out_type=jax.ShapeDtypeStruct((XROWS, DH), jnp.int32),
        mesh=_sc_mesh(),
        scratch_types=[
            pltpu.VMEM((CHUNK,), jnp.int32),
            pltpu.VMEM((CHUNK,), jnp.int32),
            pltpu.VMEM((CHUNK, DH), jnp.int32),
            pltpu.SemaphoreType.DMA,
            pltpu.SemaphoreType.DMA,
        ],
    )
    def k(u_hbm, p0_hbm, p1_hbm, x_hbm, idx0_v, idx1_v, rows_v, sem0, sem1):
        wid = jax.lax.axis_index("c") * NSC + jax.lax.axis_index("s")
        base = wid * CHUNK
        pltpu.sync_copy(p0_hbm.at[pl.ds(base, CHUNK)], idx0_v)
        pltpu.sync_copy(p1_hbm.at[pl.ds(base, CHUNK)], idx1_v)
        pltpu.sync_copy(u_hbm.at[pl.ds(base, CHUNK)], rows_v)
        c0 = pltpu.make_async_copy(rows_v, x_hbm.at[idx0_v], sem0)
        c1 = pltpu.make_async_copy(rows_v, x_hbm.at[idx1_v], sem1)
        c0.start()
        c1.start()
        c0.wait()
        c1.wait()

    return k(upk, pos0, pos1)



def _k3_body(gm_ref, x_ref, w_ref, y_ref, wbf_ref):
    w = pl.program_id(0)
    g = gm_ref[w]
    gprev = gm_ref[jnp.maximum(w - 1, 0)]
    changed = jnp.logical_or(w == 0, g != gprev)
    valid = w < gm_ref[NT]

    @pl.when(jnp.logical_and(changed, valid))
    def _():
        wbf_ref[...] = w_ref[0].astype(jnp.bfloat16)

    @pl.when(valid)
    def _():
        xlo, xhi = _unpack(x_ref[...])
        wbf = wbf_ref[...]
        acc = jax.lax.dot_general(
            xlo, wbf[:, :DH], (((1,), (1,)), ((), ())),
            preferred_element_type=jnp.float32)
        acc = acc + jax.lax.dot_general(
            xhi, wbf[:, DH:], (((1,), (1,)), ((), ())),
            preferred_element_type=jnp.float32)
        y_ref[...] = _pack(acc.astype(jnp.bfloat16))


def _k3(gm, x2d, Wr):
    return pl.pallas_call(
        _k3_body,
        grid_spec=pltpu.PrefetchScalarGridSpec(
            num_scalar_prefetch=1,
            grid=(NT,),
            in_specs=[
                pl.BlockSpec((TMG, DH), lambda w, gm: (w, 0)),
                pl.BlockSpec((1, D, D), lambda w, gm: (gm[w], 0, 0)),
            ],
            out_specs=pl.BlockSpec((TMG, DH), lambda w, gm: (w, 0)),
            scratch_shapes=[pltpu.VMEM((D, D), jnp.bfloat16)],
        ),
        out_shape=jax.ShapeDtypeStruct((XROWS, DH), jnp.int32),
    )(gm, x2d, Wr)



def _sc_gather(y2, pos0, pos1):
    @functools.partial(
        pl.kernel,
        out_type=(jax.ShapeDtypeStruct((M, DH), jnp.int32),
                  jax.ShapeDtypeStruct((M, DH), jnp.int32)),
        mesh=_sc_mesh(),
        scratch_types=[
            pltpu.VMEM((HCH,), jnp.int32),
            pltpu.VMEM((HCH,), jnp.int32),
            pltpu.VMEM((HCH, DH), jnp.int32),
            pltpu.VMEM((HCH, DH), jnp.int32),
            pltpu.SemaphoreType.DMA,
            pltpu.SemaphoreType.DMA,
        ],
    )
    def k(y_hbm, p0_hbm, p1_hbm, r0_hbm, r1_hbm,
          idx0_v, idx1_v, rows0_v, rows1_v, sem0, sem1):
        wid = jax.lax.axis_index("c") * NSC + jax.lax.axis_index("s")
        for h in range(CHUNK // HCH):
            base = wid * CHUNK + h * HCH
            pltpu.sync_copy(p0_hbm.at[pl.ds(base, HCH)], idx0_v)
            pltpu.sync_copy(p1_hbm.at[pl.ds(base, HCH)], idx1_v)
            c0 = pltpu.make_async_copy(y_hbm.at[idx0_v], rows0_v, sem0)
            c1 = pltpu.make_async_copy(y_hbm.at[idx1_v], rows1_v, sem1)
            c0.start()
            c1.start()
            c0.wait()
            pltpu.sync_copy(rows0_v, r0_hbm.at[pl.ds(base, HCH)])
            c1.wait()
            pltpu.sync_copy(rows1_v, r1_hbm.at[pl.ds(base, HCH)])

    return k(y2, pos0, pos1)



def _k5_body(base_ref, v0_ref, v1_ref, r0_ref, r1_ref, o_ref):
    r0lo, r0hi = _unpack(r0_ref[...])
    r1lo, r1hi = _unpack(r1_ref[...])
    v0 = v0_ref[...]
    v1 = v1_ref[...]
    o_ref[:, :DH] = (base_ref[:, :DH].astype(jnp.float32)
                     + v0 * r0lo.astype(jnp.float32)
                     + v1 * r1lo.astype(jnp.float32))
    o_ref[:, DH:] = (base_ref[:, DH:].astype(jnp.float32)
                     + v0 * r0hi.astype(jnp.float32)
                     + v1 * r1hi.astype(jnp.float32))


def _k5(base, v0, v1, r0, r1):
    return pl.pallas_call(
        _k5_body,
        grid=(NJ,),
        in_specs=[
            pl.BlockSpec((TM1, D), lambda j: (j, 0)),
            pl.BlockSpec((TM1, 1), lambda j: (j, 0)),
            pl.BlockSpec((TM1, 1), lambda j: (j, 0)),
            pl.BlockSpec((TM1, DH), lambda j: (j, 0)),
            pl.BlockSpec((TM1, DH), lambda j: (j, 0)),
        ],
        out_specs=pl.BlockSpec((TM1, D), lambda j: (j, 0)),
        out_shape=jax.ShapeDtypeStruct((M, D), jnp.float32),
    )(base, v0, v1, r0, r1)



def kernel(u, centroids, Wr, br, Ws, bs):
    uf = u.reshape(M, D)
    centT = centroids.T

    base, gmat, cnt3, upk = _k1a(uf, centT, Ws, br, bs)
    rr = jax.lax.broadcasted_iota(jnp.int32, (TM1, TM1), 0)
    cc = jax.lax.broadcasted_iota(jnp.int32, (TM1, TM1), 1)
    tril = (rr >= cc).astype(jnp.float32)
    pos0, pos1, v0, v1, gm = _k1b(cnt3, tril, gmat)
    pos0f = pos0.reshape(M)
    pos1f = pos1.reshape(M)

    x2d = _sc_scatter(upk, pos0f, pos1f)
    y2d = _k3(gm.reshape(NTP), x2d, Wr)
    r0, r1 = _sc_gather(y2d, pos0f, pos1f)

    out = _k5(base, v0, v1, r0, r1)
    return out.reshape(B, T, D)

# --- scband reference (transcript-rebuilt; emitter-appended) ---
"""Pipeline reference for scband-deep-seek-moe-69432441307201 (READ-ONLY COPY).

The authoritative reference and input builder live on the scoring server;
editing this copy changes nothing except your own understanding.
"""

import jax, jax.numpy as jnp
import numpy as np

B, T, D = 2, 2048, 1024
NR, NS, TOPK = 16, 2, 2


def setup_inputs(seed: int = 0) -> dict:
    key = jax.random.key(seed)
    ks = jax.random.split(key, 6)
    u = jax.random.normal(ks[0], (B, T, D), dtype=jnp.float32)
    centroids = jax.random.normal(ks[1], (NR, D), dtype=jnp.float32)
    Wr = jax.random.normal(ks[2], (NR, D, D), dtype=jnp.float32) * 0.02
    br = jax.random.normal(ks[3], (NR, D), dtype=jnp.float32) * 0.02
    Ws = jax.random.normal(ks[4], (NS, D, D), dtype=jnp.float32) * 0.02
    bs = jax.random.normal(ks[5], (NS, D), dtype=jnp.float32) * 0.02
    return {"u": u, "centroids": centroids, "Wr": Wr, "br": br, "Ws": Ws, "bs": bs}


def reference(u, centroids, Wr, br, Ws, bs):
    # router affinities: sigmoid(u . centroid_r)
    s = jax.nn.sigmoid(jnp.einsum('btd,rd->btr', u, centroids))
    # normalized gates (computed in the original module, not used for the output)
    g = s / jnp.sum(s, axis=-1, keepdims=True)
    # top-k gating: keep raw sigmoid affinities at top-k slots, zero elsewhere
    topk_values, topk_indices = jax.lax.top_k(s, TOPK)
    one_hot = jax.nn.one_hot(topk_indices, NR, dtype=s.dtype)  # [B,T,K,NR]
    g_topk = jnp.sum(one_hot * topk_values[..., None], axis=-2)  # [B,T,NR]
    # routed experts: dense evaluation of every expert, gated sum
    routed = jnp.zeros_like(u)
    for i in range(NR):
        expert_out = u @ Wr[i].T + br[i]  # nn.Linear: x @ W.T + b
        routed = routed + g_topk[..., i:i + 1] * expert_out
    # shared experts: always-on sum
    shared = jnp.zeros_like(u)
    for j in range(NS):
        shared = shared + (u @ Ws[j].T + bs[j])
    h = u + routed + shared
    return h

if __name__ == "__main__":
    import jax
    _d = setup_inputs()
    print(jax.jit(kernel)(*tuple(_d.values())))

</pallas_src>

<mosaic_0001>
#map = affine_map<(d0, d1) -> (0, 0)>
#map1 = affine_map<(d0, d1) -> (0)>
module attributes {stable_mosaic.version = 14 : i64} {
  func.func @k(%arg0: i32, %arg1: i32, %arg2: memref<4096x512xi32, #tpu.memory_space<hbm>>, %arg3: memref<4096xi32, #tpu.memory_space<hbm>>, %arg4: memref<4096xi32, #tpu.memory_space<hbm>>, %arg5: memref<16384x512xi32, #tpu.memory_space<hbm>>, %arg6: memref<128xi32, #tpu.memory_space<vmem>>, %arg7: memref<128xi32, #tpu.memory_space<vmem>>, %arg8: memref<128x512xi32, #tpu.memory_space<vmem>>, %arg9: memref<!tpu.dma_semaphore, #tpu.memory_space<semaphore_mem>>, %arg10: memref<!tpu.dma_semaphore, #tpu.memory_space<semaphore_mem>>) attributes {dimension_semantics = [#tpu.dimension_semantics<core_parallel>, #tpu.dimension_semantics<subcore_parallel>], iteration_bounds = array<i64: 2, 16>, scalar_prefetch = 0 : i64, scratch_operands = 5 : i64, tpu.core_type = #tpu.core_type<sc_vector_subcore>, window_params = [{transform_indices = #map}, {transform_indices = #map1}, {transform_indices = #map1}, {transform_indices = #map}]} {
    %mul3A = arith.constant 16 : i32
    %mul3A_0 = arith.muli %arg0, %mul3A : i32
    %add3A = arith.addi %mul3A_0, %arg1 : i32
    %mul3A_1 = arith.constant 128 : i32
    %mul3A_2 = arith.muli %add3A, %mul3A_1 : i32
    "tpu.region"() ({
      %run_scoped3A = tpu.sem_alloc : memref<!tpu.dma_semaphore, #tpu.memory_space<semaphore_mem>>
      %dma_start3A_13 = tpu.memref_slice %arg3[%mul3A_2] : memref<4096xi32, #tpu.memory_space<hbm>> -> memref<128xi32, #tpu.memory_space<hbm>>
      %dma_start3A_14 = tpu.memref_slice %arg3[%mul3A_2] : memref<4096xi32, #tpu.memory_space<hbm>> -> memref<128xi32, #tpu.memory_space<hbm>>
      tpu.enqueue_dma source(%dma_start3A_14 : memref<128xi32, #tpu.memory_space<hbm>>) target(%arg6 : memref<128xi32, #tpu.memory_space<vmem>>) target_semaphore(%run_scoped3A : memref<!tpu.dma_semaphore, #tpu.memory_space<semaphore_mem>>)
      %dma_wait3A_15 = tpu.memref_slice %arg3[%mul3A_2] : memref<4096xi32, #tpu.memory_space<hbm>> -> memref<128xi32, #tpu.memory_space<hbm>>
      %dma_wait3A_16 = tpu.memref_slice %arg3[%mul3A_2] : memref<4096xi32, #tpu.memory_space<hbm>> -> memref<128xi32, #tpu.memory_space<hbm>>
      tpu.wait_dma2 semaphore(%run_scoped3A : memref<!tpu.dma_semaphore, #tpu.memory_space<semaphore_mem>>) src(%dma_wait3A_16 : memref<128xi32, #tpu.memory_space<hbm>>) dst(%arg6 : memref<128xi32, #tpu.memory_space<vmem>>)
      tpu.yield
    }) : () -> ()
    "tpu.region"() ({
      %run_scoped3A = tpu.sem_alloc : memref<!tpu.dma_semaphore, #tpu.memory_space<semaphore_mem>>
      %dma_start3A_13 = tpu.memref_slice %arg4[%mul3A_2] : memref<4096xi32, #tpu.memory_space<hbm>> -> memref<128xi32, #tpu.memory_space<hbm>>
      %dma_start3A_14 = tpu.memref_slice %arg4[%mul3A_2] : memref<4096xi32, #tpu.memory_space<hbm>> -> memref<128xi32, #tpu.memory_space<hbm>>
      tpu.enqueue_dma source(%dma_start3A_14 : memref<128xi32, #tpu.memory_space<hbm>>) target(%arg7 : memref<128xi32, #tpu.memory_space<vmem>>) target_semaphore(%run_scoped3A : memref<!tpu.dma_semaphore, #tpu.memory_space<semaphore_mem>>)
      %dma_wait3A_15 = tpu.memref_slice %arg4[%mul3A_2] : memref<4096xi32, #tpu.memory_space<hbm>> -> memref<128xi32, #tpu.memory_space<hbm>>
      %dma_wait3A_16 = tpu.memref_slice %arg4[%mul3A_2] : memref<4096xi32, #tpu.memory_space<hbm>> -> memref<128xi32, #tpu.memory_space<hbm>>
      tpu.wait_dma2 semaphore(%run_scoped3A : memref<!tpu.dma_semaphore, #tpu.memory_space<semaphore_mem>>) src(%dma_wait3A_16 : memref<128xi32, #tpu.memory_space<hbm>>) dst(%arg7 : memref<128xi32, #tpu.memory_space<vmem>>)
      tpu.yield
    }) : () -> ()
    "tpu.region"() ({
      %run_scoped3A = tpu.sem_alloc : memref<!tpu.dma_semaphore, #tpu.memory_space<semaphore_mem>>
      %dma_start3A_13 = arith.constant 0 : i32
      %dma_start3A_14 = tpu.memref_slice %arg2[%mul3A_2, %dma_start3A_13] : memref<4096x512xi32, #tpu.memory_space<hbm>> -> memref<128x512xi32, #tpu.memory_space<hbm>>
      %dma_start3A_15 = arith.constant 0 : i32
      %dma_start3A_16 = tpu.memref_slice %arg2[%mul3A_2, %dma_start3A_15] : memref<4096x512xi32, #tpu.memory_space<hbm>> -> memref<128x512xi32, #tpu.memory_space<hbm>>
      tpu.enqueue_dma source(%dma_start3A_16 : memref<128x512xi32, #tpu.memory_space<hbm>>) target(%arg8 : memref<128x512xi32, #tpu.memory_space<vmem>>) target_semaphore(%run_scoped3A : memref<!tpu.dma_semaphore, #tpu.memory_space<semaphore_mem>>)
      %dma_wait3A_17 = arith.constant 0 : i32
      %dma_wait3A_18 = tpu.memref_slice %arg2[%mul3A_2, %dma_wait3A_17] : memref<4096x512xi32, #tpu.memory_space<hbm>> -> memref<128x512xi32, #tpu.memory_space<hbm>>
      %dma_wait3A_19 = arith.constant 0 : i32
      %dma_wait3A_20 = tpu.memref_slice %arg2[%mul3A_2, %dma_wait3A_19] : memref<4096x512xi32, #tpu.memory_space<hbm>> -> memref<128x512xi32, #tpu.memory_space<hbm>>
      tpu.wait_dma2 semaphore(%run_scoped3A : memref<!tpu.dma_semaphore, #tpu.memory_space<semaphore_mem>>) src(%dma_wait3A_20 : memref<128x512xi32, #tpu.memory_space<hbm>>) dst(%arg8 : memref<128x512xi32, #tpu.memory_space<vmem>>)
      tpu.yield
    }) : () -> ()
    %dma_start3A = arith.constant 0 : i32
    %dma_start3A_3 = arith.constant 0 : i32
    %dma_start3A_4 = tpu.memref_slice %arg5[%dma_start3A, %dma_start3A_3] : memref<16384x512xi32, #tpu.memory_space<hbm>> -> memref<16384x512xi32, #tpu.memory_space<hbm>>
    tpu.enqueue_indirect_dma source(%arg8 : memref<128x512xi32, #tpu.memory_space<vmem>>) target(%dma_start3A_4 : memref<16384x512xi32, #tpu.memory_space<hbm>>) offsets(%arg6 : memref<128xi32, #tpu.memory_space<vmem>>) semaphore(%arg9 : memref<!tpu.dma_semaphore, #tpu.memory_space<semaphore_mem>>)
    %dma_start3A_5 = arith.constant 0 : i32
    %dma_start3A_6 = arith.constant 0 : i32
    %dma_start3A_7 = tpu.memref_slice %arg5[%dma_start3A_5, %dma_start3A_6] : memref<16384x512xi32, #tpu.memory_space<hbm>> -> memref<16384x512xi32, #tpu.memory_space<hbm>>
    tpu.enqueue_indirect_dma source(%arg8 : memref<128x512xi32, #tpu.memory_space<vmem>>) target(%dma_start3A_7 : memref<16384x512xi32, #tpu.memory_space<hbm>>) offsets(%arg7 : memref<128xi32, #tpu.memory_space<vmem>>) semaphore(%arg10 : memref<!tpu.dma_semaphore, #tpu.memory_space<semaphore_mem>>)
    %dma_wait3A = arith.constant 0 : i32
    %dma_wait3A_8 = arith.constant 0 : i32
    %dma_wait3A_9 = tpu.memref_slice %arg5[%dma_wait3A, %dma_wait3A_8] : memref<16384x512xi32, #tpu.memory_space<hbm>> -> memref<16384x512xi32, #tpu.memory_space<hbm>>
    tpu.wait_indirect_dma semaphore(%arg9 : memref<!tpu.dma_semaphore, #tpu.memory_space<semaphore_mem>>) src(%arg8 : memref<128x512xi32, #tpu.memory_space<vmem>>) dst(%dma_wait3A_9 : memref<16384x512xi32, #tpu.memory_space<hbm>>)
    %dma_wait3A_10 = arith.constant 0 : i32
    %dma_wait3A_11 = arith.constant 0 : i32
    %dma_wait3A_12 = tpu.memref_slice %arg5[%dma_wait3A_10, %dma_wait3A_11] : memref<16384x512xi32, #tpu.memory_space<hbm>> -> memref<16384x512xi32, #tpu.memory_space<hbm>>
    tpu.wait_indirect_dma semaphore(%arg10 : memref<!tpu.dma_semaphore, #tpu.memory_space<semaphore_mem>>) src(%arg8 : memref<128x512xi32, #tpu.memory_space<vmem>>) dst(%dma_wait3A_12 : memref<16384x512xi32, #tpu.memory_space<hbm>>)
    return
  }
}

#map = affine_map<(d0, d1) -> (0, 0)>
#map1 = affine_map<(d0, d1) -> (0)>
module attributes {stable_mosaic.version = 14 : i64} {
  func.func @k(%arg0: i32, %arg1: i32, %arg2: memref<16384x512xi32, #tpu.memory_space<hbm>>, %arg3: memref<4096xi32, #tpu.memory_space<hbm>>, %arg4: memref<4096xi32, #tpu.memory_space<hbm>>, %arg5: memref<4096x512xi32, #tpu.memory_space<hbm>>, %arg6: memref<4096x512xi32, #tpu.memory_space<hbm>>, %arg7: memref<64xi32, #tpu.memory_space<vmem>>, %arg8: memref<64xi32, #tpu.memory_space<vmem>>, %arg9: memref<64x512xi32, #tpu.memory_space<vmem>>, %arg10: memref<64x512xi32, #tpu.memory_space<vmem>>, %arg11: memref<!tpu.dma_semaphore, #tpu.memory_space<semaphore_mem>>, %arg12: memref<!tpu.dma_semaphore, #tpu.memory_space<semaphore_mem>>) attributes {dimension_semantics = [#tpu.dimension_semantics<core_parallel>, #tpu.dimension_semantics<subcore_parallel>], iteration_bounds = array<i64: 2, 16>, scalar_prefetch = 0 : i64, scratch_operands = 6 : i64, tpu.core_type = #tpu.core_type<sc_vector_subcore>, window_params = [{transform_indices = #map}, {transform_indices = #map1}, {transform_indices = #map1}, {transform_indices = #map}, {transform_indices = #map}]} {
    %mul3A = arith.constant 16 : i32
    %mul3A_0 = arith.muli %arg0, %mul3A : i32
    %add3A = arith.addi %mul3A_0, %arg1 : i32
    %mul3A_1 = arith.constant 128 : i32
    %mul3A_2 = arith.muli %add3A, %mul3A_1 : i32
    %add3A_3 = arith.constant 0 : i32
    %add3A_4 = arith.addi %mul3A_2, %add3A_3 : i32
    "tpu.region"() ({
      %run_scoped3A = tpu.sem_alloc : memref<!tpu.dma_semaphore, #tpu.memory_space<semaphore_mem>>
      %dma_start3A_31 = tpu.memref_slice %arg3[%add3A_4] : memref<4096xi32, #tpu.memory_space<hbm>> -> memref<64xi32, #tpu.memory_space<hbm>>
      %dma_start3A_32 = tpu.memref_slice %arg3[%add3A_4] : memref<4096xi32, #tpu.memory_space<hbm>> -> memref<64xi32, #tpu.memory_space<hbm>>
      tpu.enqueue_dma source(%dma_start3A_32 : memref<64xi32, #tpu.memory_space<hbm>>) target(%arg7 : memref<64xi32, #tpu.memory_space<vmem>>) target_semaphore(%run_scoped3A : memref<!tpu.dma_semaphore, #tpu.memory_space<semaphore_mem>>)
      %dma_wait3A_33 = tpu.memref_slice %arg3[%add3A_4] : memref<4096xi32, #tpu.memory_space<hbm>> -> memref<64xi32, #tpu.memory_space<hbm>>
      %dma_wait3A_34 = tpu.memref_slice %arg3[%add3A_4] : memref<4096xi32, #tpu.memory_space<hbm>> -> memref<64xi32, #tpu.memory_space<hbm>>
      tpu.wait_dma2 semaphore(%run_scoped3A : memref<!tpu.dma_semaphore, #tpu.memory_space<semaphore_mem>>) src(%dma_wait3A_34 : memref<64xi32, #tpu.memory_space<hbm>>) dst(%arg7 : memref<64xi32, #tpu.memory_space<vmem>>)
      tpu.yield
    }) : () -> ()
    "tpu.region"() ({
      %run_scoped3A = tpu.sem_alloc : memref<!tpu.dma_semaphore, #tpu.memory_space<semaphore_mem>>
      %dma_start3A_31 = tpu.memref_slice %arg4[%add3A_4] : memref<4096xi32, #tpu.memory_space<hbm>> -> memref<64xi32, #tpu.memory_space<hbm>>
      %dma_start3A_32 = tpu.memref_slice %arg4[%add3A_4] : memref<4096xi32, #tpu.memory_space<hbm>> -> memref<64xi32, #tpu.memory_space<hbm>>
      tpu.enqueue_dma source(%dma_start3A_32 : memref<64xi32, #tpu.memory_space<hbm>>) target(%arg8 : memref<64xi32, #tpu.memory_space<vmem>>) target_semaphore(%run_scoped3A : memref<!tpu.dma_semaphore, #tpu.memory_space<semaphore_mem>>)
      %dma_wait3A_33 = tpu.memref_slice %arg4[%add3A_4] : memref<4096xi32, #tpu.memory_space<hbm>> -> memref<64xi32, #tpu.memory_space<hbm>>
      %dma_wait3A_34 = tpu.memref_slice %arg4[%add3A_4] : memref<4096xi32, #tpu.memory_space<hbm>> -> memref<64xi32, #tpu.memory_space<hbm>>
      tpu.wait_dma2 semaphore(%run_scoped3A : memref<!tpu.dma_semaphore, #tpu.memory_space<semaphore_mem>>) src(%dma_wait3A_34 : memref<64xi32, #tpu.memory_space<hbm>>) dst(%arg8 : memref<64xi32, #tpu.memory_space<vmem>>)
      tpu.yield
    }) : () -> ()
    %dma_start3A = arith.constant 0 : i32
    %dma_start3A_5 = arith.constant 0 : i32
    %dma_start3A_6 = tpu.memref_slice %arg2[%dma_start3A, %dma_start3A_5] : memref<16384x512xi32, #tpu.memory_space<hbm>> -> memref<16384x512xi32, #tpu.memory_space<hbm>>
    tpu.enqueue_indirect_dma source(%dma_start3A_6 : memref<16384x512xi32, #tpu.memory_space<hbm>>) target(%arg9 : memref<64x512xi32, #tpu.memory_space<vmem>>) offsets(%arg7 : memref<64xi32, #tpu.memory_space<vmem>>) semaphore(%arg11 : memref<!tpu.dma_semaphore, #tpu.memory_space<semaphore_mem>>)
    %dma_start3A_7 = arith.constant 0 : i32
    %dma_start3A_8 = arith.constant 0 : i32
    %dma_start3A_9 = tpu.memref_slice %arg2[%dma_start3A_7, %dma_start3A_8] : memref<16384x512xi32, #tpu.memory_space<hbm>> -> memref<16384x512xi32, #tpu.memory_space<hbm>>
    tpu.enqueue_indirect_dma source(%dma_start3A_9 : memref<16384x512xi32, #tpu.memory_space<hbm>>) target(%arg10 : memref<64x512xi32, #tpu.memory_space<vmem>>) offsets(%arg8 : memref<64xi32, #tpu.memory_space<vmem>>) semaphore(%arg12 : memref<!tpu.dma_semaphore, #tpu.memory_space<semaphore_mem>>)
    %dma_wait3A = arith.constant 0 : i32
    %dma_wait3A_10 = arith.constant 0 : i32
    %dma_wait3A_11 = tpu.memref_slice %arg2[%dma_wait3A, %dma_wait3A_10] : memref<16384x512xi32, #tpu.memory_space<hbm>> -> memref<16384x512xi32, #tpu.memory_space<hbm>>
    tpu.wait_indirect_dma semaphore(%arg11 : memref<!tpu.dma_semaphore, #tpu.memory_space<semaphore_mem>>) src(%dma_wait3A_11 : memref<16384x512xi32, #tpu.memory_space<hbm>>) dst(%arg9 : memref<64x512xi32, #tpu.memory_space<vmem>>)
    "tpu.region"() ({
      %run_scoped3A = tpu.sem_alloc : memref<!tpu.dma_semaphore, #tpu.memory_space<semaphore_mem>>
      %dma_start3A_31 = arith.constant 0 : i32
      %dma_start3A_32 = tpu.memref_slice %arg5[%add3A_4, %dma_start3A_31] : memref<4096x512xi32, #tpu.memory_space<hbm>> -> memref<64x512xi32, #tpu.memory_space<hbm>>
      %dma_start3A_33 = arith.constant 0 : i32
      %dma_start3A_34 = tpu.memref_slice %arg5[%add3A_4, %dma_start3A_33] : memref<4096x512xi32, #tpu.memory_space<hbm>> -> memref<64x512xi32, #tpu.memory_space<hbm>>
      tpu.enqueue_dma source(%arg9 : memref<64x512xi32, #tpu.memory_space<vmem>>) target(%dma_start3A_34 : memref<64x512xi32, #tpu.memory_space<hbm>>) target_semaphore(%run_scoped3A : memref<!tpu.dma_semaphore, #tpu.memory_space<semaphore_mem>>)
      %dma_wait3A_35 = arith.constant 0 : i32
      %dma_wait3A_36 = tpu.memref_slice %arg5[%add3A_4, %dma_wait3A_35] : memref<4096x512xi32, #tpu.memory_space<hbm>> -> memref<64x512xi32, #tpu.memory_space<hbm>>
      %dma_wait3A_37 = arith.constant 0 : i32
      %dma_wait3A_38 = tpu.memref_slice %arg5[%add3A_4, %dma_wait3A_37] : memref<4096x512xi32, #tpu.memory_space<hbm>> -> memref<64x512xi32, #tpu.memory_space<hbm>>
      tpu.wait_dma2 semaphore(%run_scoped3A : memref<!tpu.dma_semaphore, #tpu.memory_space<semaphore_mem>>) src(%arg9 : memref<64x512xi32, #tpu.memory_space<vmem>>) dst(%dma_wait3A_38 : memref<64x512xi32, #tpu.memory_space<hbm>>)
      tpu.yield
    }) : () -> ()
    %dma_wait3A_12 = arith.constant 0 : i32
    %dma_wait3A_13 = arith.constant 0 : i32
    %dma_wait3A_14 = tpu.memref_slice %arg2[%dma_wait3A_12, %dma_wait3A_13] : memref<16384x512xi32, #tpu.memory_space<hbm>> -> memref<16384x512xi32, #tpu.memory_space<hbm>>
    tpu.wait_indirect_dma semaphore(%arg12 : memref<!tpu.dma_semaphore, #tpu.memory_space<semaphore_mem>>) src(%dma_wait3A_14 : memref<16384x512xi32, #tpu.memory_space<hbm>>) dst(%arg10 : memref<64x512xi32, #tpu.memory_space<vmem>>)
    "tpu.region"() ({
      %run_scoped3A = tpu.sem_alloc : memref<!tpu.dma_semaphore, #tpu.memory_space<semaphore_mem>>
      %dma_start3A_31 = arith.constant 0 : i32
      %dma_start3A_32 = tpu.memref_slice %arg6[%add3A_4, %dma_start3A_31] : memref<4096x512xi32, #tpu.memory_space<hbm>> -> memref<64x512xi32, #tpu.memory_space<hbm>>
      %dma_start3A_33 = arith.constant 0 : i32
      %dma_start3A_34 = tpu.memref_slice %arg6[%add3A_4, %dma_start3A_33] : memref<4096x512xi32, #tpu.memory_space<hbm>> -> memref<64x512xi32, #tpu.memory_space<hbm>>
      tpu.enqueue_dma source(%arg10 : memref<64x512xi32, #tpu.memory_space<vmem>>) target(%dma_start3A_34 : memref<64x512xi32, #tpu.memory_space<hbm>>) target_semaphore(%run_scoped3A : memref<!tpu.dma_semaphore, #tpu.memory_space<semaphore_mem>>)
      %dma_wait3A_35 = arith.constant 0 : i32
      %dma_wait3A_36 = tpu.memref_slice %arg6[%add3A_4, %dma_wait3A_35] : memref<4096x512xi32, #tpu.memory_space<hbm>> -> memref<64x512xi32, #tpu.memory_space<hbm>>
      %dma_wait3A_37 = arith.constant 0 : i32
      %dma_wait3A_38 = tpu.memref_slice %arg6[%add3A_4, %dma_wait3A_37] : memref<4096x512xi32, #tpu.memory_space<hbm>> -> memref<64x512xi32, #tpu.memory_space<hbm>>
      tpu.wait_dma2 semaphore(%run_scoped3A : memref<!tpu.dma_semaphore, #tpu.memory_space<semaphore_mem>>) src(%arg10 : memref<64x512xi32, #tpu.memory_space<vmem>>) dst(%dma_wait3A_38 : memref<64x512xi32, #tpu.memory_space<hbm>>)
      tpu.yield
    }) : () -> ()
    %mul3A_15 = arith.constant 128 : i32
    %mul3A_16 = arith.muli %add3A, %mul3A_15 : i32
    %add3A_17 = arith.constant 64 : i32
    %add3A_18 = arith.addi %mul3A_16, %add3A_17 : i32
    "tpu.region"() ({
      %run_scoped3A = tpu.sem_alloc : memref<!tpu.dma_semaphore, #tpu.memory_space<semaphore_mem>>
      %dma_start3A_31 = tpu.memref_slice %arg3[%add3A_18] : memref<4096xi32, #tpu.memory_space<hbm>> -> memref<64xi32, #tpu.memory_space<hbm>>
      %dma_start3A_32 = tpu.memref_slice %arg3[%add3A_18] : memref<4096xi32, #tpu.memory_space<hbm>> -> memref<64xi32, #tpu.memory_space<hbm>>
      tpu.enqueue_dma source(%dma_start3A_32 : memref<64xi32, #tpu.memory_space<hbm>>) target(%arg7 : memref<64xi32, #tpu.memory_space<vmem>>) target_semaphore(%run_scoped3A : memref<!tpu.dma_semaphore, #tpu.memory_space<semaphore_mem>>)
      %dma_wait3A_33 = tpu.memref_slice %arg3[%add3A_18] : memref<4096xi32, #tpu.memory_space<hbm>> -> memref<64xi32, #tpu.memory_space<hbm>>
      %dma_wait3A_34 = tpu.memref_slice %arg3[%add3A_18] : memref<4096xi32, #tpu.memory_space<hbm>> -> memref<64xi32, #tpu.memory_space<hbm>>
      tpu.wait_dma2 semaphore(%run_scoped3A : memref<!tpu.dma_semaphore, #tpu.memory_space<semaphore_mem>>) src(%dma_wait3A_34 : memref<64xi32, #tpu.memory_space<hbm>>) dst(%arg7 : memref<64xi32, #tpu.memory_space<vmem>>)
      tpu.yield
    }) : () -> ()
    "tpu.region"() ({
      %run_scoped3A = tpu.sem_alloc : memref<!tpu.dma_semaphore, #tpu.memory_space<semaphore_mem>>
      %dma_start3A_31 = tpu.memref_slice %arg4[%add3A_18] : memref<4096xi32, #tpu.memory_space<hbm>> -> memref<64xi32, #tpu.memory_space<hbm>>
      %dma_start3A_32 = tpu.memref_slice %arg4[%add3A_18] : memref<4096xi32, #tpu.memory_space<hbm>> -> memref<64xi32, #tpu.memory_space<hbm>>
      tpu.enqueue_dma source(%dma_start3A_32 : memref<64xi32, #tpu.memory_space<hbm>>) target(%arg8 : memref<64xi32, #tpu.memory_space<vmem>>) target_semaphore(%run_scoped3A : memref<!tpu.dma_semaphore, #tpu.memory_space<semaphore_mem>>)
      %dma_wait3A_33 = tpu.memref_slice %arg4[%add3A_18] : memref<4096xi32, #tpu.memory_space<hbm>> -> memref<64xi32, #tpu.memory_space<hbm>>
      %dma_wait3A_34 = tpu.memref_slice %arg4[%add3A_18] : memref<4096xi32, #tpu.memory_space<hbm>> -> memref<64xi32, #tpu.memory_space<hbm>>
      tpu.wait_dma2 semaphore(%run_scoped3A : memref<!tpu.dma_semaphore, #tpu.memory_space<semaphore_mem>>) src(%dma_wait3A_34 : memref<64xi32, #tpu.memory_space<hbm>>) dst(%arg8 : memref<64xi32, #tpu.memory_space<vmem>>)
      tpu.yield
    }) : () -> ()
    %dma_start3A_19 = arith.constant 0 : i32
    %dma_start3A_20 = arith.constant 0 : i32
    %dma_start3A_21 = tpu.memref_slice %arg2[%dma_start3A_19, %dma_start3A_20] : memref<16384x512xi32, #tpu.memory_space<hbm>> -> memref<16384x512xi32, #tpu.memory_space<hbm>>
    tpu.enqueue_indirect_dma source(%dma_start3A_21 : memref<16384x512xi32, #tpu.memory_space<hbm>>) target(%arg9 : memref<64x512xi32, #tpu.memory_space<vmem>>) offsets(%arg7 : memref<64xi32, #tpu.memory_space<vmem>>) semaphore(%arg11 : memref<!tpu.dma_semaphore, #tpu.memory_space<semaphore_mem>>)
    %dma_start3A_22 = arith.constant 0 : i32
    %dma_start3A_23 = arith.constant 0 : i32
    %dma_start3A_24 = tpu.memref_slice %arg2[%dma_start3A_22, %dma_start3A_23] : memref<16384x512xi32, #tpu.memory_space<hbm>> -> memref<16384x512xi32, #tpu.memory_space<hbm>>
    tpu.enqueue_indirect_dma source(%dma_start3A_24 : memref<16384x512xi32, #tpu.memory_space<hbm>>) target(%arg10 : memref<64x512xi32, #tpu.memory_space<vmem>>) offsets(%arg8 : memref<64xi32, #tpu.memory_space<vmem>>) semaphore(%arg12 : memref<!tpu.dma_semaphore, #tpu.memory_space<semaphore_mem>>)
    %dma_wait3A_25 = arith.constant 0 : i32
    %dma_wait3A_26 = arith.constant 0 : i32
    %dma_wait3A_27 = tpu.memref_slice %arg2[%dma_wait3A_25, %dma_wait3A_26] : memref<16384x512xi32, #tpu.memory_space<hbm>> -> memref<16384x512xi32, #tpu.memory_space<hbm>>
    tpu.wait_indirect_dma semaphore(%arg11 : memref<!tpu.dma_semaphore, #tpu.memory_space<semaphore_mem>>) src(%dma_wait3A_27 : memref<16384x512xi32, #tpu.memory_space<hbm>>) dst(%arg9 : memref<64x512xi32, #tpu.memory_space<vmem>>)
    "tpu.region"() ({
      %run_scoped3A = tpu.sem_alloc : memref<!tpu.dma_semaphore, #tpu.memory_space<semaphore_mem>>
      %dma_start3A_31 = arith.constant 0 : i32
      %dma_start3A_32 = tpu.memref_slice %arg5[%add3A_18, %dma_start3A_31] : memref<4096x512xi32, #tpu.memory_space<hbm>> -> memref<64x512xi32, #tpu.memory_space<hbm>>
      %dma_start3A_33 = arith.constant 0 : i32
      %dma_start3A_34 = tpu.memref_slice %arg5[%add3A_18, %dma_start3A_33] : memref<4096x512xi32, #tpu.memory_space<hbm>> -> memref<64x512xi32, #tpu.memory_space<hbm>>
      tpu.enqueue_dma source(%arg9 : memref<64x512xi32, #tpu.memory_space<vmem>>) target(%dma_start3A_34 : memref<64x512xi32, #tpu.memory_space<hbm>>) target_semaphore(%run_scoped3A : memref<!tpu.dma_semaphore, #tpu.memory_space<semaphore_mem>>)
      %dma_wait3A_35 = arith.constant 0 : i32
      %dma_wait3A_36 = tpu.memref_slice %arg5[%add3A_18, %dma_wait3A_35] : memref<4096x512xi32, #tpu.memory_space<hbm>> -> memref<64x512xi32, #tpu.memory_space<hbm>>
      %dma_wait3A_37 = arith.constant 0 : i32
      %dma_wait3A_38 = tpu.memref_slice %arg5[%add3A_18, %dma_wait3A_37] : memref<4096x512xi32, #tpu.memory_space<hbm>> -> memref<64x512xi32, #tpu.memory_space<hbm>>
      tpu.wait_dma2 semaphore(%run_scoped3A : memref<!tpu.dma_semaphore, #tpu.memory_space<semaphore_mem>>) src(%arg9 : memref<64x512xi32, #tpu.memory_space<vmem>>) dst(%dma_wait3A_38 : memref<64x512xi32, #tpu.memory_space<hbm>>)
      tpu.yield
    }) : () -> ()
    %dma_wait3A_28 = arith.constant 0 : i32
    %dma_wait3A_29 = arith.constant 0 : i32
    %dma_wait3A_30 = tpu.memref_slice %arg2[%dma_wait3A_28, %dma_wait3A_29] : memref<16384x512xi32, #tpu.memory_space<hbm>> -> memref<16384x512xi32, #tpu.memory_space<hbm>>
    tpu.wait_indirect_dma semaphore(%arg12 : memref<!tpu.dma_semaphore, #tpu.memory_space<semaphore_mem>>) src(%dma_wait3A_30 : memref<16384x512xi32, #tpu.memory_space<hbm>>) dst(%arg10 : memref<64x512xi32, #tpu.memory_space<vmem>>)
    "tpu.region"() ({
      %run_scoped3A = tpu.sem_alloc : memref<!tpu.dma_semaphore, #tpu.memory_space<semaphore_mem>>
      %dma_start3A_31 = arith.constant 0 : i32
      %dma_start3A_32 = tpu.memref_slice %arg6[%add3A_18, %dma_start3A_31] : memref<4096x512xi32, #tpu.memory_space<hbm>> -> memref<64x512xi32, #tpu.memory_space<hbm>>
      %dma_start3A_33 = arith.constant 0 : i32
      %dma_start3A_34 = tpu.memref_slice %arg6[%add3A_18, %dma_start3A_33] : memref<4096x512xi32, #tpu.memory_space<hbm>> -> memref<64x512xi32, #tpu.memory_space<hbm>>
      tpu.enqueue_dma source(%arg10 : memref<64x512xi32, #tpu.memory_space<vmem>>) target(%dma_start3A_34 : memref<64x512xi32, #tpu.memory_space<hbm>>) target_semaphore(%run_scoped3A : memref<!tpu.dma_semaphore, #tpu.memory_space<semaphore_mem>>)
      %dma_wait3A_35 = arith.constant 0 : i32
      %dma_wait3A_36 = tpu.memref_slice %arg6[%add3A_18, %dma_wait3A_35] : memref<4096x512xi32, #tpu.memory_space<hbm>> -> memref<64x512xi32, #tpu.memory_space<hbm>>
      %dma_wait3A_37 = arith.constant 0 : i32
      %dma_wait3A_38 = tpu.memref_slice %arg6[%add3A_18, %dma_wait3A_37] : memref<4096x512xi32, #tpu.memory_space<hbm>> -> memref<64x512xi32, #tpu.memory_space<hbm>>
      tpu.wait_dma2 semaphore(%run_scoped3A : memref<!tpu.dma_semaphore, #tpu.memory_space<semaphore_mem>>) src(%arg10 : memref<64x512xi32, #tpu.memory_space<vmem>>) dst(%dma_wait3A_38 : memref<64x512xi32, #tpu.memory_space<hbm>>)
      tpu.yield
    }) : () -> ()
    return
  }
}

module attributes {stable_mosaic.version = 14 : i64} {
  func.func @_k1a_body(%arg0: i32, %arg1: memref<1024x16xf32, #tpu.memory_space<vmem>>, %arg2: memref<2x1024x1024xf32, #tpu.memory_space<vmem>>, %arg3: memref<16x1024xf32, #tpu.memory_space<vmem>>, %arg4: memref<2x1024xf32, #tpu.memory_space<vmem>>, %arg5: memref<512x1024xf32, #tpu.memory_space<vmem>>, %arg6: memref<512x1024xbf16, #tpu.memory_space<vmem>>, %arg7: memref<512x16xf32, #tpu.memory_space<vmem>>, %arg8: memref<1x1x16xf32, #tpu.memory_space<vmem>>, %arg9: memref<512x512xi32, #tpu.memory_space<vmem>>, %arg10: memref<1024x1024xbf16, #tpu.memory_space<vmem>>) attributes {dimension_semantics = [#tpu.dimension_semantics<arbitrary>], iteration_bounds = array<i64: 8>, scalar_prefetch = 0 : i64, scratch_operands = 1 : i64, tpu.core_type = #tpu.core_type<tc>, window_params = [{pipeline_mode = #tpu.pipeline_mode<synchronous>, transform_indices = @transform_0, window_bounds = array<i64: 1024, 16>}, {pipeline_mode = #tpu.pipeline_mode<synchronous>, transform_indices = @transform_1, window_bounds = array<i64: 2, 1024, 1024>}, {pipeline_mode = #tpu.pipeline_mode<synchronous>, transform_indices = @transform_2, window_bounds = array<i64: 16, 1024>}, {pipeline_mode = #tpu.pipeline_mode<synchronous>, transform_indices = @transform_3, window_bounds = array<i64: 2, 1024>}, {transform_indices = @transform_4, window_bounds = array<i64: 512, 1024>}, {transform_indices = @transform_5, window_bounds = array<i64: 512, 1024>}, {transform_indices = @transform_6, window_bounds = array<i64: 512, 16>}, {transform_indices = @transform_7, window_bounds = array<i64: 1, 1, 16>}, {transform_indices = @transform_8, window_bounds = array<i64: 512, 512>}]} {
    %eq3A = arith.constant 0 : i32
    %eq3A_0 = arith.cmpi eq, %arg0, %eq3A : i32
    %convert_element_type3A = arith.extui %eq3A_0 : i1 to i32
    %cond3A = arith.constant 0 : i32
    %cond3A_1 = arith.cmpi ne, %convert_element_type3A, %cond3A : i32
    scf.if %cond3A_1 {
      %get3A_90 = arith.constant 0 : index
      %get3A_91 = arith.constant 0 : index
      %get3A_92 = arith.constant 0 : index
      %get3A_93 = vector.load %arg2[%get3A_90, %get3A_91, %get3A_92] : memref<2x1024x1024xf32, #tpu.memory_space<vmem>>, vector<1x1024x1024xf32>
      %get3A_94 = vector.shape_cast %get3A_93 : vector<1x1024x1024xf32> to vector<1024x1024xf32>
      %get3A_95 = arith.constant 1 : index
      %get3A_96 = arith.constant 0 : index
      %get3A_97 = arith.constant 0 : index
      %get3A_98 = vector.load %arg2[%get3A_95, %get3A_96, %get3A_97] : memref<2x1024x1024xf32, #tpu.memory_space<vmem>>, vector<1x1024x1024xf32>
      %get3A_99 = vector.shape_cast %get3A_98 : vector<1x1024x1024xf32> to vector<1024x1024xf32>
      %add3A_100 = arith.addf %get3A_94, %get3A_99 : vector<1024x1024xf32>
      %convert_element_type3A_101 = arith.truncf %add3A_100 : vector<1024x1024xf32> to vector<1024x1024xbf16>
      %swap3A_102 = arith.constant 0 : index
      %swap3A_103 = arith.constant 0 : index
      %swap3A_104 = vector.load %arg10[%swap3A_102, %swap3A_103] : memref<1024x1024xbf16, #tpu.memory_space<vmem>>, vector<1024x1024xbf16>
      tpu.vector_store %arg10[%swap3A_102, %swap3A_103], %convert_element_type3A_101 {strides = array<i32>} : memref<1024x1024xbf16, #tpu.memory_space<vmem>>, vector<1024x1024xbf16>,
    } else {
    }
    %get3A = arith.constant 0 : index
    %get3A_2 = arith.constant 0 : index
    %get3A_3 = vector.load %arg5[%get3A, %get3A_2] : memref<512x1024xf32, #tpu.memory_space<vmem>>, vector<512x1024xf32>
    %get3A_4 = arith.constant 0 : index
    %get3A_5 = arith.constant 0 : index
    %get3A_6 = vector.load %arg1[%get3A_4, %get3A_5] : memref<1024x16xf32, #tpu.memory_space<vmem>>, vector<1024x16xf32>
    %dot_general3A = arith.constant dense<0.000000e+00> : vector<512x16xf32>
    %dot_general3A_7 = tpu.matmul %get3A_3, %get3A_6, %dot_general3A {dimension_numbers = #tpu.dot_dimension_numbers<[1], [0], [0], [1], [0, 0, 1, 1], [], []>, transpose_lhs_hint = false} : vector<512x1024xf32>, vector<1024x16xf32>, vector<512x16xf32> -> vector<512x16xf32>
    %logistic3A = arith.negf %dot_general3A_7 : vector<512x16xf32>
    %logistic3A_8 = math.exp %logistic3A : vector<512x16xf32>
    %logistic3A_9 = arith.constant 1.000000e+00 : f32
    %logistic3A_10 = vector.broadcast %logistic3A_9 : f32 to vector<512x16xf32>
    %logistic3A_11 = arith.addf %logistic3A_10, %logistic3A_8 : vector<512x16xf32>
    %logistic3A_12 = arith.divf %logistic3A_10, %logistic3A_11 : vector<512x16xf32>
    %iota3A = tpu.iota {dimensions = array<i32: 1>} : vector<512x16xi32>
    %reduce_max3A = arith.constant dense<0xFF800000> : vector<512xf32>
    %reduce_max3A_13 = vector.multi_reduction <maximumf>, %logistic3A_12, %reduce_max3A [1] : vector<512x16xf32> to vector<512xf32>
    %broadcast_in_dim3A = vector.shape_cast %reduce_max3A_13 : vector<512xf32> to vector<512x1xf32>
    %eq3A_14 = vector.broadcast %broadcast_in_dim3A : vector<512x1xf32> to vector<512x16xf32>
    %eq3A_15 = arith.cmpf oeq, %logistic3A_12, %eq3A_14 : vector<512x16xf32>
    %jit3A = arith.constant 16 : i32
    %broadcast_in_dim3A_16 = vector.broadcast %jit3A : i32 to vector<512x16xi32>
    %select_n3A = arith.select %eq3A_15, %iota3A, %broadcast_in_dim3A_16 : vector<512x16xi1>, vector<512x16xi32>
    %reduce_min3A = arith.constant dense<2147483647> : vector<512xi32>
    %reduce_min3A_17 = vector.multi_reduction <minsi>, %select_n3A, %reduce_min3A [1] : vector<512x16xi32> to vector<512xi32>
    %broadcast_in_dim3A_18 = vector.shape_cast %reduce_min3A_17 : vector<512xi32> to vector<512x1xi32>
    %eq3A_19 = vector.broadcast %broadcast_in_dim3A_18 : vector<512x1xi32> to vector<512x16xi32>
    %eq3A_20 = arith.cmpi eq, %iota3A, %eq3A_19 : vector<512x16xi32>
    %jit3A_21 = arith.constant 0xFF800000 : f32
    %broadcast_in_dim3A_22 = vector.broadcast %jit3A_21 : f32 to vector<512x16xf32>
    %select_n3A_23 = arith.select %eq3A_20, %broadcast_in_dim3A_22, %logistic3A_12 : vector<512x16xi1>, vector<512x16xf32>
    %reduce_max3A_24 = arith.constant dense<0xFF800000> : vector<512xf32>
    %reduce_max3A_25 = vector.multi_reduction <maximumf>, %select_n3A_23, %reduce_max3A_24 [1] : vector<512x16xf32> to vector<512xf32>
    %broadcast_in_dim3A_26 = vector.shape_cast %reduce_max3A_25 : vector<512xf32> to vector<512x1xf32>
    %eq3A_27 = vector.broadcast %broadcast_in_dim3A_26 : vector<512x1xf32> to vector<512x16xf32>
    %eq3A_28 = arith.cmpf oeq, %select_n3A_23, %eq3A_27 : vector<512x16xf32>
    %jit3A_29 = arith.constant 16 : i32
    %broadcast_in_dim3A_30 = vector.broadcast %jit3A_29 : i32 to vector<512x16xi32>
    %select_n3A_31 = arith.select %eq3A_28, %iota3A, %broadcast_in_dim3A_30 : vector<512x16xi1>, vector<512x16xi32>
    %reduce_min3A_32 = arith.constant dense<2147483647> : vector<512xi32>
    %reduce_min3A_33 = vector.multi_reduction <minsi>, %select_n3A_31, %reduce_min3A_32 [1] : vector<512x16xi32> to vector<512xi32>
    %broadcast_in_dim3A_34 = vector.shape_cast %reduce_min3A_33 : vector<512xi32> to vector<512x1xi32>
    %eq3A_35 = vector.broadcast %broadcast_in_dim3A_18 : vector<512x1xi32> to vector<512x16xi32>
    %eq3A_36 = arith.cmpi eq, %iota3A, %eq3A_35 : vector<512x16xi32>
    %eq3A_37 = vector.broadcast %broadcast_in_dim3A_34 : vector<512x1xi32> to vector<512x16xi32>
    %eq3A_38 = arith.cmpi eq, %iota3A, %eq3A_37 : vector<512x16xi32>
    %or3A = arith.ori %eq3A_36, %eq3A_38 : vector<512x16xi1>
    %jit3A_39 = arith.constant 0.000000e+00 : f32
    %broadcast_in_dim3A_40 = vector.broadcast %jit3A_39 : f32 to vector<512x16xf32>
    %select_n3A_41 = arith.select %or3A, %logistic3A_12, %broadcast_in_dim3A_40 : vector<512x16xi1>, vector<512x16xf32>
    %swap3A = arith.constant 0 : index
    %swap3A_42 = arith.constant 0 : index
    %swap3A_43 = vector.load %arg7[%swap3A, %swap3A_42] : memref<512x16xf32, #tpu.memory_space<vmem>>, vector<512x16xf32>
    tpu.vector_store %arg7[%swap3A, %swap3A_42], %select_n3A_41 {strides = array<i32>} : memref<512x16xf32, #tpu.memory_space<vmem>>, vector<512x16xf32>,
    %convert_element_type3A_44 = arith.extui %or3A : vector<512x16xi1> to vector<512x16xi32>
    %convert_element_type3A_45 = arith.sitofp %convert_element_type3A_44 : vector<512x16xi32> to vector<512x16xf32>
    %reduce_sum3A = arith.constant dense<0.000000e+00> : vector<16xf32>
    %reduce_sum3A_46 = vector.multi_reduction <add>, %convert_element_type3A_45, %reduce_sum3A [0] : vector<512x16xf32> to vector<16xf32>
    %broadcast_in_dim3A_47 = vector.shape_cast %reduce_sum3A_46 : vector<16xf32> to vector<1x16xf32>
    %swap3A_48 = arith.constant 0 : index
    %swap3A_49 = arith.constant 0 : index
    %swap3A_50 = arith.constant 0 : index
    %swap3A_51 = vector.load %arg8[%swap3A_48, %swap3A_49, %swap3A_50] : memref<1x1x16xf32, #tpu.memory_space<vmem>>, vector<1x1x16xf32>
    %swap3A_52 = vector.shape_cast %swap3A_51 : vector<1x1x16xf32> to vector<1x16xf32>
    %swap3A_53 = vector.shape_cast %broadcast_in_dim3A_47 : vector<1x16xf32> to vector<1x1x16xf32>
    tpu.vector_store %arg8[%swap3A_48, %swap3A_49, %swap3A_50], %swap3A_53 {strides = array<i32>} : memref<1x1x16xf32, #tpu.memory_space<vmem>>, vector<1x1x16xf32>,
    %convert_element_type3A_54 = arith.truncf %get3A_3 : vector<512x1024xf32> to vector<512x1024xbf16>
    %slice3A = vector.extract_strided_slice %convert_element_type3A_54 {offsets = [0, 0], sizes = [512, 512], strides = [1, 1]} : vector<512x1024xbf16> to vector<512x512xbf16>
    %bitcast_convert_type3A = tpu.bitcast %slice3A : vector<512x512xbf16> -> vector<512x512xi16>
    %convert_element_type3A_55 = arith.extui %bitcast_convert_type3A : vector<512x512xi16> to vector<512x512xi32>
    %slice3A_56 = vector.extract_strided_slice %convert_element_type3A_54 {offsets = [0, 512], sizes = [512, 512], strides = [1, 1]} : vector<512x1024xbf16> to vector<512x512xbf16>
    %bitcast_convert_type3A_57 = tpu.bitcast %slice3A_56 : vector<512x512xbf16> -> vector<512x512xi16>
    %convert_element_type3A_58 = arith.extui %bitcast_convert_type3A_57 : vector<512x512xi16> to vector<512x512xi32>
    %shift_left3A = arith.constant 16 : i32
    %shift_left3A_59 = vector.broadcast %shift_left3A : i32 to vector<512x512xi32>
    %shift_left3A_60 = arith.shli %convert_element_type3A_58, %shift_left3A_59 : vector<512x512xi32>
    %or3A_61 = arith.ori %shift_left3A_60, %convert_element_type3A_55 : vector<512x512xi32>
    %bitcast_convert_type3A_62 = tpu.bitcast %or3A_61 : vector<512x512xi32> -> vector<512x512xi32>
    %swap3A_63 = arith.constant 0 : index
    %swap3A_64 = arith.constant 0 : index
    %swap3A_65 = vector.load %arg9[%swap3A_63, %swap3A_64] : memref<512x512xi32, #tpu.memory_space<vmem>>, vector<512x512xi32>
    tpu.vector_store %arg9[%swap3A_63, %swap3A_64], %bitcast_convert_type3A_62 {strides = array<i32>} : memref<512x512xi32, #tpu.memory_space<vmem>>, vector<512x512xi32>,
    %get3A_66 = arith.constant 0 : index
    %get3A_67 = arith.constant 0 : index
    %get3A_68 = vector.load %arg4[%get3A_66, %get3A_67] : memref<2x1024xf32, #tpu.memory_space<vmem>>, vector<1x1024xf32>
    %get3A_69 = arith.constant 1 : index
    %get3A_70 = arith.constant 0 : index
    %get3A_71 = vector.load %arg4[%get3A_69, %get3A_70] : memref<2x1024xf32, #tpu.memory_space<vmem>>, vector<1x1024xf32>
    %add3A = arith.addf %get3A_68, %get3A_71 : vector<1x1024xf32>
    %add3A_72 = vector.broadcast %add3A : vector<1x1024xf32> to vector<512x1024xf32>
    %add3A_73 = arith.addf %get3A_3, %add3A_72 : vector<512x1024xf32>
    %get3A_74 = arith.constant 0 : index
    %get3A_75 = arith.constant 0 : index
    %get3A_76 = vector.load %arg3[%get3A_74, %get3A_75] : memref<16x1024xf32, #tpu.memory_space<vmem>>, vector<16x1024xf32>
    %dot_general3A_77 = arith.constant dense<0.000000e+00> : vector<512x1024xf32>
    %dot_general3A_78 = tpu.matmul %select_n3A_41, %get3A_76, %dot_general3A_77 {dimension_numbers = #tpu.dot_dimension_numbers<[1], [0], [0], [1], [0, 0, 1, 1], [], []>, transpose_lhs_hint = false} : vector<512x16xf32>, vector<16x1024xf32>, vector<512x1024xf32> -> vector<512x1024xf32>
    %add3A_79 = arith.addf %add3A_73, %dot_general3A_78 : vector<512x1024xf32>
    %get3A_80 = arith.constant 0 : index
    %get3A_81 = arith.constant 0 : index
    %get3A_82 = vector.load %arg10[%get3A_80, %get3A_81] : memref<1024x1024xbf16, #tpu.memory_space<vmem>>, vector<1024x1024xbf16>
    %dot_general3A_83 = arith.constant dense<0.000000e+00> : vector<512x1024xf32>
    %dot_general3A_84 = tpu.matmul %convert_element_type3A_54, %get3A_82, %dot_general3A_83 {dimension_numbers = #tpu.dot_dimension_numbers<[1], [1], [0], [0], [0, 0, 1, 0], [], []>, transpose_lhs_hint = false} : vector<512x1024xbf16>, vector<1024x1024xbf16>, vector<512x1024xf32> -> vector<512x1024xf32>
    %add3A_85 = arith.addf %add3A_79, %dot_general3A_84 : vector<512x1024xf32>
    %convert_element_type3A_86 = arith.truncf %add3A_85 : vector<512x1024xf32> to vector<512x1024xbf16>
    %swap3A_87 = arith.constant 0 : index
    %swap3A_88 = arith.constant 0 : index
    %swap3A_89 = vector.load %arg6[%swap3A_87, %swap3A_88] : memref<512x1024xbf16, #tpu.memory_space<vmem>>, vector<512x1024xbf16>
    tpu.vector_store %arg6[%swap3A_87, %swap3A_88], %convert_element_type3A_86 {strides = array<i32>} : memref<512x1024xbf16, #tpu.memory_space<vmem>>, vector<512x1024xbf16>,
    return
  }
  func.func @transform_0(%arg0: i32) -> (i32, i32) {
    %c0_i32 = arith.constant 0 : i32
    %c0_i32_0 = arith.constant 0 : i32
    %c0_i32_1 = arith.constant 0 : i32
    return %c0_i32, %c0_i32_0 : i32, i32
  }
  func.func @transform_1(%arg0: i32) -> (i32, i32, i32) {
    %c0_i32 = arith.constant 0 : i32
    %c0_i32_0 = arith.constant 0 : i32
    %c0_i32_1 = arith.constant 0 : i32
    %c0_i32_2 = arith.constant 0 : i32
    return %c0_i32, %c0_i32_0, %c0_i32_1 : i32, i32, i32
  }
  func.func @transform_2(%arg0: i32) -> (i32, i32) {
    %c0_i32 = arith.constant 0 : i32
    %c0_i32_0 = arith.constant 0 : i32
    %c0_i32_1 = arith.constant 0 : i32
    return %c0_i32, %c0_i32_0 : i32, i32
  }
  func.func @transform_3(%arg0: i32) -> (i32, i32) {
    %c0_i32 = arith.constant 0 : i32
    %c0_i32_0 = arith.constant 0 : i32
    %c0_i32_1 = arith.constant 0 : i32
    return %c0_i32, %c0_i32_0 : i32, i32
  }
  func.func @transform_4(%arg0: i32) -> (i32, i32) {
    %c0_i32 = arith.constant 0 : i32
    %c0_i32_0 = arith.constant 0 : i32
    return %arg0, %c0_i32 : i32, i32
  }
  func.func @transform_5(%arg0: i32) -> (i32, i32) {
    %c0_i32 = arith.constant 0 : i32
    %c0_i32_0 = arith.constant 0 : i32
    return %arg0, %c0_i32 : i32, i32
  }
  func.func @transform_6(%arg0: i32) -> (i32, i32) {
    %c0_i32 = arith.constant 0 : i32
    %c0_i32_0 = arith.constant 0 : i32
    return %arg0, %c0_i32 : i32, i32
  }
  func.func @transform_7(%arg0: i32) -> (i32, i32, i32) {
    %c0_i32 = arith.constant 0 : i32
    %c0_i32_0 = arith.constant 0 : i32
    %c0_i32_1 = arith.constant 0 : i32
    return %arg0, %c0_i32, %c0_i32_0 : i32, i32, i32
  }
  func.func @transform_8(%arg0: i32) -> (i32, i32) {
    %c0_i32 = arith.constant 0 : i32
    %c0_i32_0 = arith.constant 0 : i32
    return %arg0, %c0_i32 : i32, i32
  }
}

module attributes {stable_mosaic.version = 14 : i64} {
  func.func @_k1b_body(%arg0: i32, %arg1: memref<8x1x16xf32, #tpu.memory_space<vmem>>, %arg2: memref<512x512xf32, #tpu.memory_space<vmem>>, %arg3: memref<512x16xf32, #tpu.memory_space<vmem>>, %arg4: memref<512x1xi32, #tpu.memory_space<vmem>>, %arg5: memref<512x1xi32, #tpu.memory_space<vmem>>, %arg6: memref<512x1xf32, #tpu.memory_space<vmem>>, %arg7: memref<512x1xf32, #tpu.memory_space<vmem>>, %arg8: memref<40x1xi32, #tpu.memory_space<vmem>>, %arg9: memref<1x16xf32, #tpu.memory_space<vmem>>, %arg10: memref<1x16xf32, #tpu.memory_space<vmem>>) attributes {dimension_semantics = [#tpu.dimension_semantics<arbitrary>], iteration_bounds = array<i64: 8>, scalar_prefetch = 0 : i64, scratch_operands = 2 : i64, tpu.core_type = #tpu.core_type<tc>, window_params = [{pipeline_mode = #tpu.pipeline_mode<synchronous>, transform_indices = @transform_0, window_bounds = array<i64: 8, 1, 16>}, {pipeline_mode = #tpu.pipeline_mode<synchronous>, transform_indices = @transform_1, window_bounds = array<i64: 512, 512>}, {transform_indices = @transform_2, window_bounds = array<i64: 512, 16>}, {transform_indices = @transform_3, window_bounds = array<i64: 512, 1>}, {transform_indices = @transform_4, window_bounds = array<i64: 512, 1>}, {transform_indices = @transform_5, window_bounds = array<i64: 512, 1>}, {transform_indices = @transform_6, window_bounds = array<i64: 512, 1>}, {pipeline_mode = #tpu.pipeline_mode<synchronous>, transform_indices = @transform_7, window_bounds = array<i64: 40, 1>}]} {
    %eq3A = arith.constant 0 : i32
    %eq3A_0 = arith.cmpi eq, %arg0, %eq3A : i32
    %convert_element_type3A = arith.extui %eq3A_0 : i1 to i32
    %cond3A = arith.constant 0 : i32
    %cond3A_1 = arith.cmpi ne, %convert_element_type3A, %cond3A : i32
    scf.if %cond3A_1 {
      %get3A_74 = arith.constant 0 : index
      %get3A_75 = arith.constant 0 : index
      %get3A_76 = arith.constant 0 : index
      %get3A_77 = vector.load %arg1[%get3A_74, %get3A_75, %get3A_76] : memref<8x1x16xf32, #tpu.memory_space<vmem>>, vector<8x1x16xf32>
      %reduce_sum3A_78 = arith.constant dense<0.000000e+00> : vector<1x16xf32>
      %reduce_sum3A_79 = vector.multi_reduction <add>, %get3A_77, %reduce_sum3A_78 [0] : vector<8x1x16xf32> to vector<1x16xf32>
      %convert_element_type3A_80 = arith.fptosi %reduce_sum3A_79 : vector<1x16xf32> to vector<1x16xi32>
      %add3A_81 = arith.constant 511 : i32
      %add3A_82 = vector.broadcast %add3A_81 : i32 to vector<1x16xi32>
      %add3A_83 = arith.addi %convert_element_type3A_80, %add3A_82 : vector<1x16xi32>
      %jit3A = arith.constant 512 : i32
      %div3A = vector.broadcast %jit3A : i32 to vector<1x16xi32>
      %div3A_84 = arith.divsi %add3A_83, %div3A : vector<1x16xi32>
      %sign3A = arith.constant 0 : i32
      %sign3A_85 = vector.broadcast %sign3A : i32 to vector<1x16xi32>
      %sign3A_86 = arith.cmpi sgt, %add3A_83, %sign3A_85 : vector<1x16xi32>
      %sign3A_87 = arith.extui %sign3A_86 : vector<1x16xi1> to vector<1x16xi32>
      %sign3A_88 = arith.constant 0 : i32
      %sign3A_89 = vector.broadcast %sign3A_88 : i32 to vector<1x16xi32>
      %sign3A_90 = arith.cmpi slt, %add3A_83, %sign3A_89 : vector<1x16xi32>
      %sign3A_91 = arith.extui %sign3A_90 : vector<1x16xi1> to vector<1x16xi32>
      %sign3A_92 = arith.subi %sign3A_87, %sign3A_91 : vector<1x16xi32>
      %sign3A_93 = arith.constant 0 : i32
      %sign3A_94 = arith.cmpi sgt, %jit3A, %sign3A_93 : i32
      %sign3A_95 = arith.extui %sign3A_94 : i1 to i32
      %sign3A_96 = arith.constant 0 : i32
      %sign3A_97 = arith.cmpi slt, %jit3A, %sign3A_96 : i32
      %sign3A_98 = arith.extui %sign3A_97 : i1 to i32
      %sign3A_99 = arith.subi %sign3A_95, %sign3A_98 : i32
      %ne3A = vector.broadcast %sign3A_99 : i32 to vector<1x16xi32>
      %ne3A_100 = arith.cmpi ne, %sign3A_92, %ne3A : vector<1x16xi32>
      %rem3A = vector.broadcast %jit3A : i32 to vector<1x16xi32>
      %rem3A_101 = arith.remsi %add3A_83, %rem3A : vector<1x16xi32>
      %ne3A_102 = arith.constant 0 : i32
      %ne3A_103 = vector.broadcast %ne3A_102 : i32 to vector<1x16xi32>
      %ne3A_104 = arith.cmpi ne, %rem3A_101, %ne3A_103 : vector<1x16xi32>
      %and3A = arith.andi %ne3A_100, %ne3A_104 : vector<1x16xi1>
      %sub3A_105 = arith.constant 1 : i32
      %sub3A_106 = vector.broadcast %sub3A_105 : i32 to vector<1x16xi32>
      %sub3A_107 = arith.subi %div3A_84, %sub3A_106 : vector<1x16xi32>
      %select_n3A = arith.select %and3A, %sub3A_107, %div3A_84 : vector<1x16xi1>, vector<1x16xi32>
      %mul3A_108 = arith.constant 512 : i32
      %mul3A_109 = vector.broadcast %mul3A_108 : i32 to vector<1x16xi32>
      %mul3A_110 = arith.muli %select_n3A, %mul3A_109 : vector<1x16xi32>
      %iota3A_111 = tpu.iota {dimensions = array<i32: 0>} : vector<16x16xi32>
      %iota3A_112 = tpu.iota {dimensions = array<i32: 1>} : vector<16x16xi32>
      %le3A_113 = arith.cmpi sle, %iota3A_111, %iota3A_112 : vector<16x16xi32>
      %convert_element_type3A_114 = arith.extui %le3A_113 : vector<16x16xi1> to vector<16x16xi32>
      %convert_element_type3A_115 = arith.sitofp %convert_element_type3A_114 : vector<16x16xi32> to vector<16x16xf32>
      %convert_element_type3A_116 = arith.sitofp %mul3A_110 : vector<1x16xi32> to vector<1x16xf32>
      %dot_general3A_117 = arith.constant dense<0.000000e+00> : vector<1x16xf32>
      %dot_general3A_118 = tpu.matmul %convert_element_type3A_116, %convert_element_type3A_115, %dot_general3A_117 {dimension_numbers = #tpu.dot_dimension_numbers<[1], [0], [0], [1], [0, 0, 1, 1], [], []>, transpose_lhs_hint = false} : vector<1x16xf32>, vector<16x16xf32>, vector<1x16xf32> -> vector<1x16xf32>
      %convert_element_type3A_119 = arith.fptosi %dot_general3A_118 : vector<1x16xf32> to vector<1x16xi32>
      %sub3A_120 = arith.subi %convert_element_type3A_119, %mul3A_110 : vector<1x16xi32>
      %convert_element_type3A_121 = arith.sitofp %sub3A_120 : vector<1x16xi32> to vector<1x16xf32>
      %swap3A_122 = arith.constant 0 : index
      %swap3A_123 = arith.constant 0 : index
      %swap3A_124 = vector.load %arg9[%swap3A_122, %swap3A_123] : memref<1x16xf32, #tpu.memory_space<vmem>>, vector<1x16xf32>
      tpu.vector_store %arg9[%swap3A_122, %swap3A_123], %convert_element_type3A_121 {strides = array<i32>} : memref<1x16xf32, #tpu.memory_space<vmem>>, vector<1x16xf32>,
      %broadcast_in_dim3A_125 = arith.constant 0.000000e+00 : f32
      %broadcast_in_dim3A_126 = vector.broadcast %broadcast_in_dim3A_125 : f32 to vector<1x16xf32>
      %swap3A_127 = arith.constant 0 : index
      %swap3A_128 = arith.constant 0 : index
      %swap3A_129 = vector.load %arg10[%swap3A_127, %swap3A_128] : memref<1x16xf32, #tpu.memory_space<vmem>>, vector<1x16xf32>
      tpu.vector_store %arg10[%swap3A_127, %swap3A_128], %broadcast_in_dim3A_126 {strides = array<i32>} : memref<1x16xf32, #tpu.memory_space<vmem>>, vector<1x16xf32>,
      %iota3A_130 = tpu.iota {dimensions = array<i32: 0>} : vector<40x16xi32>
      %mul3A_131 = arith.constant 512 : i32
      %mul3A_132 = vector.broadcast %mul3A_131 : i32 to vector<40x16xi32>
      %mul3A_133 = arith.muli %iota3A_130, %mul3A_132 : vector<40x16xi32>
      %le3A_134 = vector.broadcast %convert_element_type3A_119 : vector<1x16xi32> to vector<40x16xi32>
      %le3A_135 = arith.cmpi sle, %le3A_134, %mul3A_133 : vector<40x16xi32>
      %convert_element_type3A_136 = arith.extui %le3A_135 : vector<40x16xi1> to vector<40x16xi32>
      %reduce_sum3A_137 = arith.constant dense<0> : vector<40xi32>
      %reduce_sum3A_138 = vector.multi_reduction <add>, %convert_element_type3A_136, %reduce_sum3A_137 [1] : vector<40x16xi32> to vector<40xi32>
      %broadcast_in_dim3A_139 = vector.shape_cast %reduce_sum3A_138 : vector<40xi32> to vector<40x1xi32>
      %slice3A = vector.extract_strided_slice %convert_element_type3A_119 {offsets = [0, 15], sizes = [1, 1], strides = [1, 1]} : vector<1x16xi32> to vector<1x1xi32>
      %squeeze3A = vector.extract %slice3A[0, 0] : i32 from vector<1x1xi32>
      %jit3A_140 = arith.constant 512 : i32
      %div3A_141 = arith.divsi %squeeze3A, %jit3A_140 : i32
      %sign3A_142 = arith.constant 0 : i32
      %sign3A_143 = arith.cmpi sgt, %squeeze3A, %sign3A_142 : i32
      %sign3A_144 = arith.extui %sign3A_143 : i1 to i32
      %sign3A_145 = arith.constant 0 : i32
      %sign3A_146 = arith.cmpi slt, %squeeze3A, %sign3A_145 : i32
      %sign3A_147 = arith.extui %sign3A_146 : i1 to i32
      %sign3A_148 = arith.subi %sign3A_144, %sign3A_147 : i32
      %sign3A_149 = arith.constant 0 : i32
      %sign3A_150 = arith.cmpi sgt, %jit3A_140, %sign3A_149 : i32
      %sign3A_151 = arith.extui %sign3A_150 : i1 to i32
      %sign3A_152 = arith.constant 0 : i32
      %sign3A_153 = arith.cmpi slt, %jit3A_140, %sign3A_152 : i32
      %sign3A_154 = arith.extui %sign3A_153 : i1 to i32
      %sign3A_155 = arith.subi %sign3A_151, %sign3A_154 : i32
      %ne3A_156 = arith.cmpi ne, %sign3A_148, %sign3A_155 : i32
      %rem3A_157 = arith.remsi %squeeze3A, %jit3A_140 : i32
      %ne3A_158 = arith.constant 0 : i32
      %ne3A_159 = arith.cmpi ne, %rem3A_157, %ne3A_158 : i32
      %and3A_160 = arith.andi %ne3A_156, %ne3A_159 : i1
      %sub3A_161 = arith.constant 1 : i32
      %sub3A_162 = arith.subi %div3A_141, %sub3A_161 : i32
      %select_n3A_163 = arith.select %and3A_160, %sub3A_162, %div3A_141 : i32
      %min3A = arith.constant 15 : i32
      %min3A_164 = vector.broadcast %min3A : i32 to vector<40x1xi32>
      %min3A_165 = arith.minsi %broadcast_in_dim3A_139, %min3A_164 : vector<40x1xi32>
      %iota3A_166 = tpu.iota {dimensions = array<i32: 0>} : vector<40x1xi32>
      %eq3A_167 = arith.constant 32 : i32
      %eq3A_168 = vector.broadcast %eq3A_167 : i32 to vector<40x1xi32>
      %eq3A_169 = arith.cmpi eq, %iota3A_166, %eq3A_168 : vector<40x1xi32>
      %broadcast_in_dim3A_170 = vector.broadcast %select_n3A_163 : i32 to vector<40x1xi32>
      %select_n3A_171 = arith.select %eq3A_169, %broadcast_in_dim3A_170, %min3A_165 : vector<40x1xi1>, vector<40x1xi32>
      %swap3A_172 = arith.constant 0 : index
      %swap3A_173 = arith.constant 0 : index
      %swap3A_174 = vector.load %arg8[%swap3A_172, %swap3A_173] : memref<40x1xi32, #tpu.memory_space<vmem>>, vector<40x1xi32>
      tpu.vector_store %arg8[%swap3A_172, %swap3A_173], %select_n3A_171 {strides = array<i32>} : memref<40x1xi32, #tpu.memory_space<vmem>>, vector<40x1xi32>,
    } else {
    }
    %get3A = arith.constant 0 : index
    %get3A_2 = arith.constant 0 : index
    %get3A_3 = vector.load %arg3[%get3A, %get3A_2] : memref<512x16xf32, #tpu.memory_space<vmem>>, vector<512x16xf32>
    %gt3A = arith.constant 0.000000e+00 : f32
    %gt3A_4 = vector.broadcast %gt3A : f32 to vector<512x16xf32>
    %gt3A_5 = arith.cmpf ogt, %get3A_3, %gt3A_4 : vector<512x16xf32>
    %convert_element_type3A_6 = arith.extui %gt3A_5 : vector<512x16xi1> to vector<512x16xi32>
    %convert_element_type3A_7 = arith.sitofp %convert_element_type3A_6 : vector<512x16xi32> to vector<512x16xf32>
    %iota3A = tpu.iota {dimensions = array<i32: 0>} : vector<16x16xi32>
    %iota3A_8 = tpu.iota {dimensions = array<i32: 1>} : vector<16x16xi32>
    %le3A = arith.cmpi sle, %iota3A, %iota3A_8 : vector<16x16xi32>
    %convert_element_type3A_9 = arith.extui %le3A : vector<16x16xi1> to vector<16x16xi32>
    %convert_element_type3A_10 = arith.sitofp %convert_element_type3A_9 : vector<16x16xi32> to vector<16x16xf32>
    %dot_general3A = arith.constant dense<0.000000e+00> : vector<512x16xf32>
    %dot_general3A_11 = tpu.matmul %convert_element_type3A_7, %convert_element_type3A_10, %dot_general3A {dimension_numbers = #tpu.dot_dimension_numbers<[1], [0], [0], [1], [0, 0, 1, 1], [], []>, transpose_lhs_hint = false} : vector<512x16xf32>, vector<16x16xf32>, vector<512x16xf32> -> vector<512x16xf32>
    %eq3A_12 = arith.constant 1.000000e+00 : f32
    %eq3A_13 = vector.broadcast %eq3A_12 : f32 to vector<512x16xf32>
    %eq3A_14 = arith.cmpf oeq, %dot_general3A_11, %eq3A_13 : vector<512x16xf32>
    %convert_element_type3A_15 = arith.extui %eq3A_14 : vector<512x16xi1> to vector<512x16xi32>
    %convert_element_type3A_16 = arith.sitofp %convert_element_type3A_15 : vector<512x16xi32> to vector<512x16xf32>
    %mul3A = arith.mulf %convert_element_type3A_7, %convert_element_type3A_16 : vector<512x16xf32>
    %eq3A_17 = arith.constant 2.000000e+00 : f32
    %eq3A_18 = vector.broadcast %eq3A_17 : f32 to vector<512x16xf32>
    %eq3A_19 = arith.cmpf oeq, %dot_general3A_11, %eq3A_18 : vector<512x16xf32>
    %convert_element_type3A_20 = arith.extui %eq3A_19 : vector<512x16xi1> to vector<512x16xi32>
    %convert_element_type3A_21 = arith.sitofp %convert_element_type3A_20 : vector<512x16xi32> to vector<512x16xf32>
    %mul3A_22 = arith.mulf %convert_element_type3A_7, %convert_element_type3A_21 : vector<512x16xf32>
    %get3A_23 = arith.constant 0 : index
    %get3A_24 = arith.constant 0 : index
    %get3A_25 = vector.load %arg2[%get3A_23, %get3A_24] : memref<512x512xf32, #tpu.memory_space<vmem>>, vector<512x512xf32>
    %dot_general3A_26 = arith.constant dense<0.000000e+00> : vector<512x16xf32>
    %dot_general3A_27 = tpu.matmul %get3A_25, %convert_element_type3A_7, %dot_general3A_26 {dimension_numbers = #tpu.dot_dimension_numbers<[1], [0], [0], [1], [0, 0, 1, 1], [], []>, transpose_lhs_hint = false} : vector<512x512xf32>, vector<512x16xf32>, vector<512x16xf32> -> vector<512x16xf32>
    %sub3A = arith.subf %dot_general3A_27, %convert_element_type3A_7 : vector<512x16xf32>
    %get3A_28 = arith.constant 0 : index
    %get3A_29 = arith.constant 0 : index
    %get3A_30 = vector.load %arg9[%get3A_28, %get3A_29] : memref<1x16xf32, #tpu.memory_space<vmem>>, vector<1x16xf32>
    %get3A_31 = arith.constant 0 : index
    %get3A_32 = arith.constant 0 : index
    %get3A_33 = vector.load %arg10[%get3A_31, %get3A_32] : memref<1x16xf32, #tpu.memory_space<vmem>>, vector<1x16xf32>
    %add3A = arith.addf %get3A_30, %get3A_33 : vector<1x16xf32>
    %add3A_34 = vector.broadcast %add3A : vector<1x16xf32> to vector<512x16xf32>
    %add3A_35 = arith.addf %add3A_34, %sub3A : vector<512x16xf32>
    %mul3A_36 = arith.mulf %mul3A, %add3A_35 : vector<512x16xf32>
    %reduce_sum3A = arith.constant dense<0.000000e+00> : vector<512xf32>
    %reduce_sum3A_37 = vector.multi_reduction <add>, %mul3A_36, %reduce_sum3A [1] : vector<512x16xf32> to vector<512xf32>
    %broadcast_in_dim3A = vector.shape_cast %reduce_sum3A_37 : vector<512xf32> to vector<512x1xf32>
    %convert_element_type3A_38 = arith.fptosi %broadcast_in_dim3A : vector<512x1xf32> to vector<512x1xi32>
    %swap3A = arith.constant 0 : index
    %swap3A_39 = arith.constant 0 : index
    %swap3A_40 = vector.load %arg4[%swap3A, %swap3A_39] : memref<512x1xi32, #tpu.memory_space<vmem>>, vector<512x1xi32>
    tpu.vector_store %arg4[%swap3A, %swap3A_39], %convert_element_type3A_38 {strides = array<i32>} : memref<512x1xi32, #tpu.memory_space<vmem>>, vector<512x1xi32>,
    %add3A_41 = arith.addf %add3A_35, %mul3A : vector<512x16xf32>
    %mul3A_42 = arith.mulf %mul3A_22, %add3A_41 : vector<512x16xf32>
    %reduce_sum3A_43 = arith.constant dense<0.000000e+00> : vector<512xf32>
    %reduce_sum3A_44 = vector.multi_reduction <add>, %mul3A_42, %reduce_sum3A_43 [1] : vector<512x16xf32> to vector<512xf32>
    %broadcast_in_dim3A_45 = vector.shape_cast %reduce_sum3A_44 : vector<512xf32> to vector<512x1xf32>
    %convert_element_type3A_46 = arith.fptosi %broadcast_in_dim3A_45 : vector<512x1xf32> to vector<512x1xi32>
    %swap3A_47 = arith.constant 0 : index
    %swap3A_48 = arith.constant 0 : index
    %swap3A_49 = vector.load %arg5[%swap3A_47, %swap3A_48] : memref<512x1xi32, #tpu.memory_space<vmem>>, vector<512x1xi32>
    tpu.vector_store %arg5[%swap3A_47, %swap3A_48], %convert_element_type3A_46 {strides = array<i32>} : memref<512x1xi32, #tpu.memory_space<vmem>>, vector<512x1xi32>,
    %mul3A_50 = arith.mulf %mul3A, %get3A_3 : vector<512x16xf32>
    %reduce_sum3A_51 = arith.constant dense<0.000000e+00> : vector<512xf32>
    %reduce_sum3A_52 = vector.multi_reduction <add>, %mul3A_50, %reduce_sum3A_51 [1] : vector<512x16xf32> to vector<512xf32>
    %broadcast_in_dim3A_53 = vector.shape_cast %reduce_sum3A_52 : vector<512xf32> to vector<512x1xf32>
    %swap3A_54 = arith.constant 0 : index
    %swap3A_55 = arith.constant 0 : index
    %swap3A_56 = vector.load %arg6[%swap3A_54, %swap3A_55] : memref<512x1xf32, #tpu.memory_space<vmem>>, vector<512x1xf32>
    tpu.vector_store %arg6[%swap3A_54, %swap3A_55], %broadcast_in_dim3A_53 {strides = array<i32>} : memref<512x1xf32, #tpu.memory_space<vmem>>, vector<512x1xf32>,
    %mul3A_57 = arith.mulf %mul3A_22, %get3A_3 : vector<512x16xf32>
    %reduce_sum3A_58 = arith.constant dense<0.000000e+00> : vector<512xf32>
    %reduce_sum3A_59 = vector.multi_reduction <add>, %mul3A_57, %reduce_sum3A_58 [1] : vector<512x16xf32> to vector<512xf32>
    %broadcast_in_dim3A_60 = vector.shape_cast %reduce_sum3A_59 : vector<512xf32> to vector<512x1xf32>
    %swap3A_61 = arith.constant 0 : index
    %swap3A_62 = arith.constant 0 : index
    %swap3A_63 = vector.load %arg7[%swap3A_61, %swap3A_62] : memref<512x1xf32, #tpu.memory_space<vmem>>, vector<512x1xf32>
    tpu.vector_store %arg7[%swap3A_61, %swap3A_62], %broadcast_in_dim3A_60 {strides = array<i32>} : memref<512x1xf32, #tpu.memory_space<vmem>>, vector<512x1xf32>,
    %get3A_64 = arith.constant 0 : index
    %get3A_65 = arith.constant 0 : index
    %get3A_66 = vector.load %arg10[%get3A_64, %get3A_65] : memref<1x16xf32, #tpu.memory_space<vmem>>, vector<1x16xf32>
    %reduce_sum3A_67 = arith.constant dense<0.000000e+00> : vector<16xf32>
    %reduce_sum3A_68 = vector.multi_reduction <add>, %convert_element_type3A_7, %reduce_sum3A_67 [0] : vector<512x16xf32> to vector<16xf32>
    %broadcast_in_dim3A_69 = vector.shape_cast %reduce_sum3A_68 : vector<16xf32> to vector<1x16xf32>
    %add3A_70 = arith.addf %get3A_66, %broadcast_in_dim3A_69 : vector<1x16xf32>
    %swap3A_71 = arith.constant 0 : index
    %swap3A_72 = arith.constant 0 : index
    %swap3A_73 = vector.load %arg10[%swap3A_71, %swap3A_72] : memref<1x16xf32, #tpu.memory_space<vmem>>, vector<1x16xf32>
    tpu.vector_store %arg10[%swap3A_71, %swap3A_72], %add3A_70 {strides = array<i32>} : memref<1x16xf32, #tpu.memory_space<vmem>>, vector<1x16xf32>,
    return
  }
  func.func @transform_0(%arg0: i32) -> (i32, i32, i32) {
    %c0_i32 = arith.constant 0 : i32
    %c0_i32_0 = arith.constant 0 : i32
    %c0_i32_1 = arith.constant 0 : i32
    %c0_i32_2 = arith.constant 0 : i32
    return %c0_i32, %c0_i32_0, %c0_i32_1 : i32, i32, i32
  }
  func.func @transform_1(%arg0: i32) -> (i32, i32) {
    %c0_i32 = arith.constant 0 : i32
    %c0_i32_0 = arith.constant 0 : i32
    %c0_i32_1 = arith.constant 0 : i32
    return %c0_i32, %c0_i32_0 : i32, i32
  }
  func.func @transform_2(%arg0: i32) -> (i32, i32) {
    %c0_i32 = arith.constant 0 : i32
    %c0_i32_0 = arith.constant 0 : i32
    return %arg0, %c0_i32 : i32, i32
  }
  func.func @transform_3(%arg0: i32) -> (i32, i32) {
    %c0_i32 = arith.constant 0 : i32
    %c0_i32_0 = arith.constant 0 : i32
    return %arg0, %c0_i32 : i32, i32
  }
  func.func @transform_4(%arg0: i32) -> (i32, i32) {
    %c0_i32 = arith.constant 0 : i32
    %c0_i32_0 = arith.constant 0 : i32
    return %arg0, %c0_i32 : i32, i32
  }
  func.func @transform_5(%arg0: i32) -> (i32, i32) {
    %c0_i32 = arith.constant 0 : i32
    %c0_i32_0 = arith.constant 0 : i32
    return %arg0, %c0_i32 : i32, i32
  }
  func.func @transform_6(%arg0: i32) -> (i32, i32) {
    %c0_i32 = arith.constant 0 : i32
    %c0_i32_0 = arith.constant 0 : i32
    return %arg0, %c0_i32 : i32, i32
  }
  func.func @transform_7(%arg0: i32) -> (i32, i32) {
    %c0_i32 = arith.constant 0 : i32
    %c0_i32_0 = arith.constant 0 : i32
    %c0_i32_1 = arith.constant 0 : i32
    return %c0_i32, %c0_i32_0 : i32, i32
  }
}

module attributes {stable_mosaic.version = 14 : i64} {
  func.func @_k3_body(%arg0: i32, %arg1: memref<40xi32, #tpu.memory_space<smem>>, %arg2: memref<512x512xi32, #tpu.memory_space<vmem>>, %arg3: memref<1x1024x1024xf32, #tpu.memory_space<vmem>>, %arg4: memref<512x512xi32, #tpu.memory_space<vmem>>, %arg5: memref<1024x1024xbf16, #tpu.memory_space<vmem>>) attributes {dimension_semantics = [#tpu.dimension_semantics<arbitrary>], iteration_bounds = array<i64: 32>, scalar_prefetch = 1 : i64, scratch_operands = 1 : i64, tpu.core_type = #tpu.core_type<tc>, window_params = [{transform_indices = @transform_0, window_bounds = array<i64: 512, 512>}, {transform_indices = @transform_1, window_bounds = array<i64: 1, 1024, 1024>}, {transform_indices = @transform_2, window_bounds = array<i64: 512, 512>}]} {
    %get3A = arith.index_cast %arg0 : i32 to index
    %get3A_0 = memref.load %arg1[%get3A] : memref<40xi32, #tpu.memory_space<smem>>
    %sub3A = arith.constant 1 : i32
    %sub3A_1 = arith.subi %arg0, %sub3A : i32
    %max3A = arith.constant 0 : i32
    %max3A_2 = arith.maxsi %sub3A_1, %max3A : i32
    %get3A_3 = arith.index_cast %max3A_2 : i32 to index
    %get3A_4 = memref.load %arg1[%get3A_3] : memref<40xi32, #tpu.memory_space<smem>>
    %eq3A = arith.constant 0 : i32
    %eq3A_5 = arith.cmpi eq, %arg0, %eq3A : i32
    %ne3A = arith.cmpi ne, %get3A_0, %get3A_4 : i32
    %or3A = arith.ori %eq3A_5, %ne3A : i1
    %get3A_6 = arith.constant 32 : index
    %get3A_7 = memref.load %arg1[%get3A_6] : memref<40xi32, #tpu.memory_space<smem>>
    %lt3A = arith.cmpi slt, %arg0, %get3A_7 : i32
    %and3A = arith.andi %or3A, %lt3A : i1
    %convert_element_type3A = arith.extui %and3A : i1 to i32
    %cond3A = arith.constant 0 : i32
    %cond3A_8 = arith.cmpi ne, %convert_element_type3A, %cond3A : i32
    scf.if %cond3A_8 {
      %get3A_12 = arith.constant 0 : index
      %get3A_13 = arith.constant 0 : index
      %get3A_14 = arith.constant 0 : index
      %get3A_15 = vector.load %arg3[%get3A_12, %get3A_13, %get3A_14] : memref<1x1024x1024xf32, #tpu.memory_space<vmem>>, vector<1x1024x1024xf32>
      %get3A_16 = vector.shape_cast %get3A_15 : vector<1x1024x1024xf32> to vector<1024x1024xf32>
      %convert_element_type3A_17 = arith.truncf %get3A_16 : vector<1024x1024xf32> to vector<1024x1024xbf16>
      %swap3A = arith.constant 0 : index
      %swap3A_18 = arith.constant 0 : index
      %swap3A_19 = vector.load %arg5[%swap3A, %swap3A_18] : memref<1024x1024xbf16, #tpu.memory_space<vmem>>, vector<1024x1024xbf16>
      tpu.vector_store %arg5[%swap3A, %swap3A_18], %convert_element_type3A_17 {strides = array<i32>} : memref<1024x1024xbf16, #tpu.memory_space<vmem>>, vector<1024x1024xbf16>,
    } else {
    }
    %convert_element_type3A_9 = arith.extui %lt3A : i1 to i32
    %cond3A_10 = arith.constant 0 : i32
    %cond3A_11 = arith.cmpi ne, %convert_element_type3A_9, %cond3A_10 : i32
    scf.if %cond3A_11 {
      %get3A_12 = arith.constant 0 : index
      %get3A_13 = arith.constant 0 : index
      %get3A_14 = vector.load %arg2[%get3A_12, %get3A_13] : memref<512x512xi32, #tpu.memory_space<vmem>>, vector<512x512xi32>
      %bitcast_convert_type3A = tpu.bitcast %get3A_14 : vector<512x512xi32> -> vector<512x512xi32>
      %and3A_15 = arith.constant 65535 : i32
      %and3A_16 = vector.broadcast %and3A_15 : i32 to vector<512x512xi32>
      %and3A_17 = arith.andi %bitcast_convert_type3A, %and3A_16 : vector<512x512xi32>
      %convert_element_type3A_18 = arith.trunci %and3A_17 : vector<512x512xi32> to vector<512x512xi16>
      %bitcast_convert_type3A_19 = tpu.bitcast %convert_element_type3A_18 : vector<512x512xi16> -> vector<512x512xbf16>
      %shift_right_logical3A = arith.constant 16 : i32
      %shift_right_logical3A_20 = vector.broadcast %shift_right_logical3A : i32 to vector<512x512xi32>
      %shift_right_logical3A_21 = arith.shrui %bitcast_convert_type3A, %shift_right_logical3A_20 : vector<512x512xi32>
      %convert_element_type3A_22 = arith.trunci %shift_right_logical3A_21 : vector<512x512xi32> to vector<512x512xi16>
      %bitcast_convert_type3A_23 = tpu.bitcast %convert_element_type3A_22 : vector<512x512xi16> -> vector<512x512xbf16>
      %get3A_24 = arith.constant 0 : index
      %get3A_25 = arith.constant 0 : index
      %get3A_26 = vector.load %arg5[%get3A_24, %get3A_25] : memref<1024x1024xbf16, #tpu.memory_space<vmem>>, vector<1024x1024xbf16>
      %slice3A = vector.extract_strided_slice %get3A_26 {offsets = [0, 0], sizes = [1024, 512], strides = [1, 1]} : vector<1024x1024xbf16> to vector<1024x512xbf16>
      %dot_general3A = arith.constant dense<0.000000e+00> : vector<512x1024xf32>
      %dot_general3A_27 = tpu.matmul %bitcast_convert_type3A_19, %slice3A, %dot_general3A {dimension_numbers = #tpu.dot_dimension_numbers<[1], [1], [0], [0], [0, 0, 1, 0], [], []>, transpose_lhs_hint = false} : vector<512x512xbf16>, vector<1024x512xbf16>, vector<512x1024xf32> -> vector<512x1024xf32>
      %slice3A_28 = vector.extract_strided_slice %get3A_26 {offsets = [0, 512], sizes = [1024, 512], strides = [1, 1]} : vector<1024x1024xbf16> to vector<1024x512xbf16>
      %dot_general3A_29 = arith.constant dense<0.000000e+00> : vector<512x1024xf32>
      %dot_general3A_30 = tpu.matmul %bitcast_convert_type3A_23, %slice3A_28, %dot_general3A_29 {dimension_numbers = #tpu.dot_dimension_numbers<[1], [1], [0], [0], [0, 0, 1, 0], [], []>, transpose_lhs_hint = false} : vector<512x512xbf16>, vector<1024x512xbf16>, vector<512x1024xf32> -> vector<512x1024xf32>
      %add3A = arith.addf %dot_general3A_27, %dot_general3A_30 : vector<512x1024xf32>
      %convert_element_type3A_31 = arith.truncf %add3A : vector<512x1024xf32> to vector<512x1024xbf16>
      %slice3A_32 = vector.extract_strided_slice %convert_element_type3A_31 {offsets = [0, 0], sizes = [512, 512], strides = [1, 1]} : vector<512x1024xbf16> to vector<512x512xbf16>
      %bitcast_convert_type3A_33 = tpu.bitcast %slice3A_32 : vector<512x512xbf16> -> vector<512x512xi16>
      %convert_element_type3A_34 = arith.extui %bitcast_convert_type3A_33 : vector<512x512xi16> to vector<512x512xi32>
      %slice3A_35 = vector.extract_strided_slice %convert_element_type3A_31 {offsets = [0, 512], sizes = [512, 512], strides = [1, 1]} : vector<512x1024xbf16> to vector<512x512xbf16>
      %bitcast_convert_type3A_36 = tpu.bitcast %slice3A_35 : vector<512x512xbf16> -> vector<512x512xi16>
      %convert_element_type3A_37 = arith.extui %bitcast_convert_type3A_36 : vector<512x512xi16> to vector<512x512xi32>
      %shift_left3A = arith.constant 16 : i32
      %shift_left3A_38 = vector.broadcast %shift_left3A : i32 to vector<512x512xi32>
      %shift_left3A_39 = arith.shli %convert_element_type3A_37, %shift_left3A_38 : vector<512x512xi32>
      %or3A_40 = arith.ori %shift_left3A_39, %convert_element_type3A_34 : vector<512x512xi32>
      %bitcast_convert_type3A_41 = tpu.bitcast %or3A_40 : vector<512x512xi32> -> vector<512x512xi32>
      %swap3A = arith.constant 0 : index
      %swap3A_42 = arith.constant 0 : index
      %swap3A_43 = vector.load %arg4[%swap3A, %swap3A_42] : memref<512x512xi32, #tpu.memory_space<vmem>>, vector<512x512xi32>
      tpu.vector_store %arg4[%swap3A, %swap3A_42], %bitcast_convert_type3A_41 {strides = array<i32>} : memref<512x512xi32, #tpu.memory_space<vmem>>, vector<512x512xi32>,
    } else {
    }
    return
  }
  func.func @transform_0(%arg0: i32, %arg1: memref<40xi32, #tpu.memory_space<smem>>) -> (i32, i32) {
    %c0_i32 = arith.constant 0 : i32
    %c0_i32_0 = arith.constant 0 : i32
    return %arg0, %c0_i32 : i32, i32
  }
  func.func @transform_1(%arg0: i32, %arg1: memref<40xi32, #tpu.memory_space<smem>>) -> (i32, i32, i32) {
    %get3A = arith.index_cast %arg0 : i32 to index
    %get3A_0 = memref.load %arg1[%get3A] : memref<40xi32, #tpu.memory_space<smem>>
    %c0_i32 = arith.constant 0 : i32
    %c0_i32_1 = arith.constant 0 : i32
    %c0_i32_2 = arith.constant 0 : i32
    return %get3A_0, %c0_i32, %c0_i32_1 : i32, i32, i32
  }
  func.func @transform_2(%arg0: i32, %arg1: memref<40xi32, #tpu.memory_space<smem>>) -> (i32, i32) {
    %c0_i32 = arith.constant 0 : i32
    %c0_i32_0 = arith.constant 0 : i32
    return %arg0, %c0_i32 : i32, i32
  }
}

module attributes {stable_mosaic.version = 14 : i64} {
  func.func @_k5_body(%arg0: i32, %arg1: memref<512x1024xbf16, #tpu.memory_space<vmem>>, %arg2: memref<512x1xf32, #tpu.memory_space<vmem>>, %arg3: memref<512x1xf32, #tpu.memory_space<vmem>>, %arg4: memref<512x512xi32, #tpu.memory_space<vmem>>, %arg5: memref<512x512xi32, #tpu.memory_space<vmem>>, %arg6: memref<512x1024xf32, #tpu.memory_space<vmem>>) attributes {dimension_semantics = [#tpu.dimension_semantics<arbitrary>], iteration_bounds = array<i64: 8>, scalar_prefetch = 0 : i64, scratch_operands = 0 : i64, tpu.core_type = #tpu.core_type<tc>, window_params = [{transform_indices = @transform_0, window_bounds = array<i64: 512, 1024>}, {transform_indices = @transform_1, window_bounds = array<i64: 512, 1>}, {transform_indices = @transform_2, window_bounds = array<i64: 512, 1>}, {transform_indices = @transform_3, window_bounds = array<i64: 512, 512>}, {transform_indices = @transform_4, window_bounds = array<i64: 512, 512>}, {transform_indices = @transform_5, window_bounds = array<i64: 512, 1024>}]} {
    %get3A = arith.constant 0 : index
    %get3A_0 = arith.constant 0 : index
    %get3A_1 = vector.load %arg4[%get3A, %get3A_0] : memref<512x512xi32, #tpu.memory_space<vmem>>, vector<512x512xi32>
    %bitcast_convert_type3A = tpu.bitcast %get3A_1 : vector<512x512xi32> -> vector<512x512xi32>
    %and3A = arith.constant 65535 : i32
    %and3A_2 = vector.broadcast %and3A : i32 to vector<512x512xi32>
    %and3A_3 = arith.andi %bitcast_convert_type3A, %and3A_2 : vector<512x512xi32>
    %convert_element_type3A = arith.trunci %and3A_3 : vector<512x512xi32> to vector<512x512xi16>
    %bitcast_convert_type3A_4 = tpu.bitcast %convert_element_type3A : vector<512x512xi16> -> vector<512x512xbf16>
    %shift_right_logical3A = arith.constant 16 : i32
    %shift_right_logical3A_5 = vector.broadcast %shift_right_logical3A : i32 to vector<512x512xi32>
    %shift_right_logical3A_6 = arith.shrui %bitcast_convert_type3A, %shift_right_logical3A_5 : vector<512x512xi32>
    %convert_element_type3A_7 = arith.trunci %shift_right_logical3A_6 : vector<512x512xi32> to vector<512x512xi16>
    %bitcast_convert_type3A_8 = tpu.bitcast %convert_element_type3A_7 : vector<512x512xi16> -> vector<512x512xbf16>
    %get3A_9 = arith.constant 0 : index
    %get3A_10 = arith.constant 0 : index
    %get3A_11 = vector.load %arg5[%get3A_9, %get3A_10] : memref<512x512xi32, #tpu.memory_space<vmem>>, vector<512x512xi32>
    %bitcast_convert_type3A_12 = tpu.bitcast %get3A_11 : vector<512x512xi32> -> vector<512x512xi32>
    %and3A_13 = arith.constant 65535 : i32
    %and3A_14 = vector.broadcast %and3A_13 : i32 to vector<512x512xi32>
    %and3A_15 = arith.andi %bitcast_convert_type3A_12, %and3A_14 : vector<512x512xi32>
    %convert_element_type3A_16 = arith.trunci %and3A_15 : vector<512x512xi32> to vector<512x512xi16>
    %bitcast_convert_type3A_17 = tpu.bitcast %convert_element_type3A_16 : vector<512x512xi16> -> vector<512x512xbf16>
    %shift_right_logical3A_18 = arith.constant 16 : i32
    %shift_right_logical3A_19 = vector.broadcast %shift_right_logical3A_18 : i32 to vector<512x512xi32>
    %shift_right_logical3A_20 = arith.shrui %bitcast_convert_type3A_12, %shift_right_logical3A_19 : vector<512x512xi32>
    %convert_element_type3A_21 = arith.trunci %shift_right_logical3A_20 : vector<512x512xi32> to vector<512x512xi16>
    %bitcast_convert_type3A_22 = tpu.bitcast %convert_element_type3A_21 : vector<512x512xi16> -> vector<512x512xbf16>
    %get3A_23 = arith.constant 0 : index
    %get3A_24 = arith.constant 0 : index
    %get3A_25 = vector.load %arg2[%get3A_23, %get3A_24] : memref<512x1xf32, #tpu.memory_space<vmem>>, vector<512x1xf32>
    %get3A_26 = arith.constant 0 : index
    %get3A_27 = arith.constant 0 : index
    %get3A_28 = vector.load %arg3[%get3A_26, %get3A_27] : memref<512x1xf32, #tpu.memory_space<vmem>>, vector<512x1xf32>
    %get3A_29 = arith.constant 0 : index
    %get3A_30 = arith.constant 0 : index
    %get3A_31 = vector.load %arg1[%get3A_29, %get3A_30] : memref<512x1024xbf16, #tpu.memory_space<vmem>>, vector<512x512xbf16>
    %convert_element_type3A_32 = arith.extf %get3A_31 : vector<512x512xbf16> to vector<512x512xf32>
    %convert_element_type3A_33 = arith.extf %bitcast_convert_type3A_4 : vector<512x512xbf16> to vector<512x512xf32>
    %mul3A = vector.broadcast %get3A_25 : vector<512x1xf32> to vector<512x512xf32>
    %mul3A_34 = arith.mulf %mul3A, %convert_element_type3A_33 : vector<512x512xf32>
    %add3A = arith.addf %convert_element_type3A_32, %mul3A_34 : vector<512x512xf32>
    %convert_element_type3A_35 = arith.extf %bitcast_convert_type3A_17 : vector<512x512xbf16> to vector<512x512xf32>
    %mul3A_36 = vector.broadcast %get3A_28 : vector<512x1xf32> to vector<512x512xf32>
    %mul3A_37 = arith.mulf %mul3A_36, %convert_element_type3A_35 : vector<512x512xf32>
    %add3A_38 = arith.addf %add3A, %mul3A_37 : vector<512x512xf32>
    %swap3A = arith.constant 0 : index
    %swap3A_39 = arith.constant 0 : index
    %swap3A_40 = vector.load %arg6[%swap3A, %swap3A_39] : memref<512x1024xf32, #tpu.memory_space<vmem>>, vector<512x512xf32>
    tpu.vector_store %arg6[%swap3A, %swap3A_39], %add3A_38 {strides = array<i32>} : memref<512x1024xf32, #tpu.memory_space<vmem>>, vector<512x512xf32>,
    %get3A_41 = arith.constant 0 : index
    %get3A_42 = arith.constant 512 : index
    %get3A_43 = vector.load %arg1[%get3A_41, %get3A_42] : memref<512x1024xbf16, #tpu.memory_space<vmem>>, vector<512x512xbf16>
    %convert_element_type3A_44 = arith.extf %get3A_43 : vector<512x512xbf16> to vector<512x512xf32>
    %convert_element_type3A_45 = arith.extf %bitcast_convert_type3A_8 : vector<512x512xbf16> to vector<512x512xf32>
    %mul3A_46 = vector.broadcast %get3A_25 : vector<512x1xf32> to vector<512x512xf32>
    %mul3A_47 = arith.mulf %mul3A_46, %convert_element_type3A_45 : vector<512x512xf32>
    %add3A_48 = arith.addf %convert_element_type3A_44, %mul3A_47 : vector<512x512xf32>
    %convert_element_type3A_49 = arith.extf %bitcast_convert_type3A_22 : vector<512x512xbf16> to vector<512x512xf32>
    %mul3A_50 = vector.broadcast %get3A_28 : vector<512x1xf32> to vector<512x512xf32>
    %mul3A_51 = arith.mulf %mul3A_50, %convert_element_type3A_49 : vector<512x512xf32>
    %add3A_52 = arith.addf %add3A_48, %mul3A_51 : vector<512x512xf32>
    %swap3A_53 = arith.constant 0 : index
    %swap3A_54 = arith.constant 512 : index
    %swap3A_55 = vector.load %arg6[%swap3A_53, %swap3A_54] : memref<512x1024xf32, #tpu.memory_space<vmem>>, vector<512x512xf32>
    tpu.vector_store %arg6[%swap3A_53, %swap3A_54], %add3A_52 {strides = array<i32>} : memref<512x1024xf32, #tpu.memory_space<vmem>>, vector<512x512xf32>,
    return
  }
  func.func @transform_0(%arg0: i32) -> (i32, i32) {
    %c0_i32 = arith.constant 0 : i32
    %c0_i32_0 = arith.constant 0 : i32
    return %arg0, %c0_i32 : i32, i32
  }
  func.func @transform_1(%arg0: i32) -> (i32, i32) {
    %c0_i32 = arith.constant 0 : i32
    %c0_i32_0 = arith.constant 0 : i32
    return %arg0, %c0_i32 : i32, i32
  }
  func.func @transform_2(%arg0: i32) -> (i32, i32) {
    %c0_i32 = arith.constant 0 : i32
    %c0_i32_0 = arith.constant 0 : i32
    return %arg0, %c0_i32 : i32, i32
  }
  func.func @transform_3(%arg0: i32) -> (i32, i32) {
    %c0_i32 = arith.constant 0 : i32
    %c0_i32_0 = arith.constant 0 : i32
    return %arg0, %c0_i32 : i32, i32
  }
  func.func @transform_4(%arg0: i32) -> (i32, i32) {
    %c0_i32 = arith.constant 0 : i32
    %c0_i32_0 = arith.constant 0 : i32
    return %arg0, %c0_i32 : i32, i32
  }
  func.func @transform_5(%arg0: i32) -> (i32, i32) {
    %c0_i32 = arith.constant 0 : i32
    %c0_i32_0 = arith.constant 0 : i32
    return %arg0, %c0_i32 : i32, i32
  }
}

</mosaic_0001>

<sc_bundles>
// kernel: kernel.11.cloned.1.call-start
scs
__scs_entry_jumppad:
0x0: {  	(pc) =	sbr.rel $0x88, $3  }
0x1: {  	(tag) =	ssettag $0x0;
	lr =	simm.s32 $0x1  }
0x2: {  	[smem:$0x3F9B] =	sst lr;
	_ =	strace $0xD0000000  }
0x3: {  	_ = 	snop  }
0x4: {  	_ = 	snop  }
0x5: {  	_ = 	snop  }
0x6: {  	_ = 	snop  }
0x7: {  	_ = 	snop  }
__scs_overlays_trampoline_lowered:
0x8: {  	[smem:$0x3FAA] =	sst s0  }
0x9: {  	[smem:$0x3FAB] =	sst s1  }
0xa: {  	[smem:$0x3FAC] =	sst s2  }
0xb: {  	[smem:$0x3FAD] =	sst s3  }
0xc: {  	[smem:$0x3FAE] =	sst s4  }
0xd: {  	[smem:$0x3FAF] =	sst s5  }
0xe: {  	[smem:$0x3FB0] =	sst s6  }
0xf: {  	[smem:$0x3FB1] =	sst s7  }
0x10: {  	[smem:$0x3FB2] =	sst s8  }
0x11: {  	[smem:$0x3FB3] =	sst s9;
	s0 =	simm.s32 @!p0 $0x0  }
0x12: {  	s1 =	sld [smem:$0x3F99];
	s0 =	simm.s32 @p0 $0x1  }
0x13: {  	[smem:$0x3FB4] =	sst s0;
	s0 =	simm.s32 @!p1 $0x0  }
0x14: {  	s2 =	sld [smem:$0x3F98];
	s0 =	simm.s32 @p1 $0x1  }
0x15: {  	[smem:$0x3FB5] =	sst s0;
	s0 =	simm.s32 @!p2 $0x0  }
0x16: {  	s3 =	sld [smem:$0x3FDB];
	s0 =	simm.s32 @p2 $0x1  }
0x17: {  	s4 =	simm.s32 $0x1BF5;
	[smem:$0x3FB7] =	sst s0  }
0x18: {  	s0 =	sld [smem:$0x3F9A];
	_ =	swait.ge [sflag:s4], $0x0  }
0x19: {  	s7 =	sld [smem:$0x3F9B]  }
0x1a: {  	s8 =	sadd.s32 $0xFFFFE003, lr  }
0x1b: {  	s9 =	sadd.s32 $0xFFFFFEF7, lr;
	s5 =	simm.s32 $0xFFFFFFFF;
	p2 =	slt.u32 s8, $0xFFFFF086  }
0x1c: {  	p1 =	slt.u32 s9, $0xF7A;
	s5 =	simm.s32 @!p2 $0x0  }
0x1d: {  	s5 =	simm.s32 @p1 $0x1;
	p0 =	seq.s32 s7, s2  }
0x1e: {  	s7 =	smul.u32 @!p0 $0xF7A, s2;
	p2 =	seq.s32 @!p0 s5, $0x0  }
0x1f: {  	s9 =	smul.u32 $0xF7A, s1;
	s8 =	simm.s32 @!p0 $0x1BF5;
	p2 =	por !p2, p0  }
0x20: {  	[sflag:s8] =	ssyncset.s32 @!p0 $0xFFFFF086;
	s6 =	sadd.s32 @!p0 s3, s7;
	s7 =	simm.s32 @!p0 $0x108  }
0x21: {  	s3 =	sadd.s32 s3, s9;
	s6 =	sadd.s32 @!p0 $0x88, s6;
	s7 =	simm.s32 @p2 $0x1082  }
0x22: {  	[simem:s7], [sflag:s8] =	dma.local @!p0 [hbm:s6], $0xF7A  }
0x23: {  	s9 =	sor.u32 $0xD0000000, s2;
	s6 =	simm.s32 $0x108;
	_ =	swait.ge @!p0 [sflag:s8], $0x0  }
0x24: {  	s3 =	sadd.s32 $0x88, s3;
	s6 =	simm.s32 @!p1 $0x1082;
	[sflag:s4] =	ssyncset.s32 $0xFFFFF086  }
0x25: {  	[simem:s6], [sflag:s4] =	dma.local [hbm:s3], $0xF7A  }
0x26: {  	[smem:$0x3F9B] =	sst s1;
	(tag) =	ssettag s2;
	_ =	strace s9  }
0x27: {  	s1 =	sld [smem:$0x3FAB]  }
0x28: {  	s2 =	sld [smem:$0x3FAC]  }
0x29: {  	s4 =	sld [smem:$0x3FAE]  }
0x2a: {  	p0 =	seq.s32 s5, $0x0;
	s5 =	sld [smem:$0x3FAF]  }
0x2b: {  	s6 =	sld [smem:$0x3FB0]  }
0x2c: {  	s7 =	sld [smem:$0x3FB1]  }
0x2d: {  	s3 =	simm.s32 $0x108;
	s8 =	sld [smem:$0x3FB2]  }
0x2e: {  	s3 =	simm.s32 @!p0 $0x1082;
	s9 =	sld [smem:$0x3FB3]  }
0x2f: {  	lr =	sadd.s32 s0, s3;
	s0 =	sld [smem:$0x3FAA]  }
0x30: {  	s3 =	sld [smem:$0x3FAD]  }
0x31: {  	[smem:$0x3FB6] =	sst s10  }
0x32: {  	s10 =	sld [smem:$0x3FB4];
	_ =	sdelay $0x3  }
0x33: {  	p0 =	seq.s32 s10, $0x1;
	s10 =	sld [smem:$0x3FB6];
	_ =	sdelay $0x3  }
0x34: {  	[smem:$0x3FB6] =	sst s10  }
0x35: {  	s10 =	sld [smem:$0x3FB5];
	_ =	sdelay $0x3  }
0x36: {  	p1 =	seq.s32 s10, $0x1;
	s10 =	sld [smem:$0x3FB6];
	_ =	sdelay $0x3  }
0x37: {  	[smem:$0x3FB6] =	sst s10  }
0x38: {  	s10 =	sld [smem:$0x3FB7]  }
0x39: {  	_ = 	snop;
	(pc) =	sbr.ind lr, $3  }
0x3a: {  	_ = 	snop  }
0x3b: {  	_ = 	snop  }
0x3c: {  	p2 =	seq.s32 s10, $0x1;
	s10 =	sld [smem:$0x3FB6]  }
0x3d: {  	_ =	shalt  }
0x3e: {  	_ =	shalt  }
0x3f: {  	_ =	shalt  }
0x40: {  	_ =	shalt  }
0x41: {  	_ =	shalt  }
0x42: {  	_ =	shalt  }
0x43: {  	_ =	shalt  }
0x44: {  	_ =	shalt  }
0x45: {  	_ =	shalt  }
0x46: {  	_ =	shalt  }
0x47: {  	_ =	shalt  }
0x48: {  	_ =	shalt  }
0x49: {  	_ =	shalt  }
0x4a: {  	_ =	shalt  }
0x4b: {  	_ =	shalt  }
0x4c: {  	_ =	shalt  }
0x4d: {  	_ =	shalt  }
0x4e: {  	_ =	shalt  }
0x4f: {  	_ =	shalt  }
0x50: {  	_ =	shalt  }
0x51: {  	_ =	shalt  }
0x52: {  	_ =	shalt  }
0x53: {  	_ =	shalt  }
0x54: {  	_ =	shalt  }
0x55: {  	_ =	shalt  }
0x56: {  	_ =	shalt  }
0x57: {  	_ =	shalt  }
0x58: {  	_ =	shalt  }
0x59: {  	_ =	shalt  }
0x5a: {  	_ =	shalt  }
0x5b: {  	_ =	shalt  }
0x5c: {  	_ =	shalt  }
0x5d: {  	_ =	shalt  }
0x5e: {  	_ =	shalt  }
0x5f: {  	_ =	shalt  }
0x60: {  	_ =	shalt  }
0x61: {  	_ =	shalt  }
0x62: {  	_ =	shalt  }
0x63: {  	_ =	shalt  }
0x64: {  	_ =	shalt  }
0x65: {  	_ =	shalt  }
0x66: {  	_ =	shalt  }
0x67: {  	_ =	shalt  }
0x68: {  	_ =	shalt  }
0x69: {  	_ =	shalt  }
0x6a: {  	_ =	shalt  }
0x6b: {  	_ =	shalt  }
0x6c: {  	_ =	shalt  }
0x6d: {  	_ =	shalt  }
0x6e: {  	_ =	shalt  }
0x6f: {  	_ =	shalt  }
0x70: {  	_ =	shalt  }
0x71: {  	_ =	shalt  }
0x72: {  	_ =	shalt  }
0x73: {  	_ =	shalt  }
0x74: {  	_ =	shalt  }
0x75: {  	_ =	shalt  }
0x76: {  	_ =	shalt  }
0x77: {  	_ =	shalt  }
0x78: {  	_ =	shalt  }
0x79: {  	_ =	shalt  }
0x7a: {  	_ =	shalt  }
0x7b: {  	_ =	shalt  }
0x7c: {  	_ =	shalt  }
0x7d: {  	_ =	shalt  }
0x7e: {  	_ =	shalt  }
0x7f: {  	_ =	shalt  }
0x80: {  	_ =	shalt  }
0x81: {  	_ =	shalt  }
0x82: {  	_ =	shalt  }
0x83: {  	_ =	shalt  }
0x84: {  	_ =	shalt  }
0x85: {  	_ =	shalt  }
0x86: {  	_ =	shalt  }
0x87: {  	_ =	shalt  }
.Lfunc_end0:
.L_simem_size_0:
called_computation.1_lowered:
.L_overlay_start_0:
0x88: {  	s2 =	sld [smem:$0x3FD9]  }
0x89: {  	s3 =	sld [smem:$0x3FFE];
	_ =	sdelay $0x1  }
0x8a: {  	s1 =	srdreg.scid  }
0x8b: {  	s0 =	sand.u32 $0x1, s1  }
0x8c: {  	s17 =	sshll.u32 s0, $0xA;
	s2 =	sadd.s32 s3, s2  }
0x8d: {  	s2 =	sadd.s32 s2, s17  }
0x8e: {  	[smem:$0x3FC2] =	sst s2  }
0x8f: {  	_ = 	snop  }
0x90: {  	s2 =	sld [smem:$0x3FD0];
	(tm) =	ssettm $0x1  }
0x91: {  	s18 =	sld [smem:$0x3FFB];
	_ =	sdelay $0x3  }
0x92: {  	_ =	strace s18  }
0x93: {  	s3 =	sld [smem:$0x3FFC];
	_ =	sdelay $0x3  }
0x94: {  	_ =	strace s3  }
0x95: {  	s3 =	sld [smem:$0x3FFD];
	_ =	sdelay $0x3  }
0x96: {  	_ =	strace s3  }
0x97: {  	_ =	strace $0x8FFFFFFF  }
0x98: {  	s19 =	sld [smem:$0x3FDB];
	_ =	sdelay $0x1  }
0x99: {  	s4 =	simm.s32 $_scs_section_size  }
0x9a: {  	s5 =	simm.s32 $_size__tile_overlayer_lowered;
	s6 =	simm.s32 $_tile_overlayer_lowered  }
0x9b: {  	s22 =	simm.s32 $0x1BFF;
	s21 =	sshll.u32 s6, $0x1;
	s3 =	sadd.s32 s4, s19  }
0x9c: {  	s7 =	simm.s32 $0x0;
	s20 =	sshll.u32 s5, $0x1;
	s5 =	sadd.s32 s21, s3  }
0x9d: {  	[timem:s7], [sflag:s22] =	dma.local [hbm:s5], s20  }
0x9e: {  	_ =	swait.ge [sflag:s22], s20  }
0x9f: {  	s4 =	ssub.s32 $0x0, s20;
	[sflag:s22] =	ssyncset.done $0x0  }
0xa0: {  	[sflag:s22] =	ssyncadd.s32 s4;
	_ =	sdelay $0x1  }
0xa1: {  	s23 =	simm.s32 $0x1B8B  }
0xa2: {  	_ =	swait.ge [sflag:s23], $0x1  }
0xa3: {  	[sflag:s23] =	ssyncset.done $0x0  }
0xa4: {  	s25 =	simm.s32 $0x1B8E;
	s24 =	sld [smem:$0x3FFE];
	[sflag:s23] =	ssyncadd.s32 $0xFFFFFFFF  }
0xa5: {  	s26 =	simm.s32 $execute0_lowered;
	[smem:$0x3FD2] =	sst s25  }
0xa6: {  	s5 =	sshll.u32 s26, $0x1;
	_ =	strace $0x80000049;
	[dreg:$0x1] =	wrdreg $0xFFFFFFFF  }
0xa7: {  	s28 =	simm.s32 $_size_execute0_lowered;
	s3 =	sadd.s32 s3, s5;
	[dreg:$0x0] =	wrdreg $0x0  }
0xa8: {  	s5 =	sshll.u32 s28, $0x1;
	[dreg:$0x2] =	wrdreg s3  }
0xa9: {  	[dreg:$0x3] =	wrdreg s5  }
0xaa: {  	[dreg:$0x4] =	wrdreg $0xC0  }
0xab: {  	_ =	task [dreg:s7], $0x5FFFF  }
0xac: {  	[dreg:$0x1] =	wrdreg $0xFFFFFFFF  }
0xad: {  	[dreg:$0x0] =	wrdreg $0x60  }
0xae: {  	[dreg:$0x2] =	wrdreg s24  }
0xaf: {  	[dreg:$0x3] =	wrdreg s2  }
0xb0: {  	[dreg:$0x4] =	wrdreg $0x9  }
0xb1: {  	_ =	task.clear_ibuf [dreg:s7], $0x5FFFF;
	_ =	strace $0x90000049  }
0xb2: {  	s29 =	simm.s32 $0x9;
	_ =	strace $0x8000004B  }
0xb3: {  	_ =	swait.ge [sflag:s29], $0x1  }
0xb4: {  	[sflag:s29] =	ssyncadd.s32 $0xFFFFFFFF  }
0xb5: {  	_ =	strace $0x9000004B  }
0xb6: {  	_ =	sfence  }
0xb7: {  	s30 =	sld [smem:$0x0];
	_ =	sdelay $0x2  }
0xb8: {  	s31 =	sshll.u32 s1, $0xD;
	s1 =	sshrl.u32 s1, $0x2  }
0xb9: {  	s3 =	sand.u32 $0x4000, s31;
	s1 =	sadd.s32 s1, s30  }
0xba: {  	s0 =	sor.u32 s3, s0;
	s1 =	sshll.u32 s1, $0x11  }
0xbb: {  	s0 =	sor.u32 s1, s0  }
0xbc: {  	s0 =	sadd.s32 $0x8F2B, s0  }
0xbd: {  	[sflag:s0] =	ssyncadd.remote.s32 $0x1  }
0xbe: {  	_ =	sfence.sel $0xFFFF  }
0xbf: {  	[dreg:$0x0] =	wrdreg $0xFFFFFFFF;
	(pc) =	sbr.abs _section_cstart, $3  }
0xc0: {  	[dreg:$0x1] =	wrdreg $0xFFFFFFFF  }
0xc1: {  	_ =	task.clear_ibuf [dreg:s7], $0x2FFFF;
	_ =	strace $0x9FFFFFFF  }
0xc2: {  	(tm) =	ssettm $0x7FFFFFFF  }
0xc3: {  	_ =	shalt  }
tec
execute0_lowered:
.L_overlay_start_1:
0x0: {  	(tag) =	ssettag $0x1  }
0x1: {  	s0 =	rddreg [dreg:$0x0]  }
0x2: {  	s1 =	rddreg [dreg:$0x1]  }
0x3: {  	s3 =	srdreg.scid;
	s2 =	simm.s32 $0x0;
	s5 =	stileid.u32  }
0x4: {  	s15 =	simm.s32 $0x1;
	s16 =	simm.s32 $0x2;
	s18 =	simm.s32 $0x80  }
0x5: {  	s28 =	simm.s32 $0x4100;
	s29 =	simm.s32 $0x4900;
	s30 =	simm.s32 $0x5100  }
0x6: {  	s31 =	simm.s32 $0x5900;
	s11 =	simm.s32 $0x9100;
	s12 =	simm.s32 $0x9900  }
0x7: {  	s13 =	simm.s32 $0xA100;
	s14 =	simm.s32 $0xA900;
	s4 =	sand.u32 $0x1, s3  }
0x8: {  	[smem:$0x7FF] =	sst s2;
	s5 =	sshll.u32 s5, $0x7;
	s6 =	sadd.s32 $0x800, s0  }
0x9: {  	s8 =	sadd.s32 $0xA00, s0;
	s9 =	sadd.s32 $0xC00, s0;
	s3 =	sshll.u32 s4, $0xB  }
0xa: {  	_ =	strace $0x8000004A;
	s4 =	ssub.s32 $0x2, s4;
	s5 =	sor.u32 s5, s3  }
0xb: {  	s3 =	sadd.s32 $0x100C00, s0;
	s24 =	sshrl.u32 s4, $0x1;
	s7 =	sshrl.u32 s5, $0x3  }
0xc: {  	s19 =	sshll.u32 s5, $0x6;
	s5 =	sor.u32 $0x40, s5;
	s25 =	ssub.s32 s4, s24  }
0xd: {  	s4 =	sadd.s32 $0x100D00, s0;
	s24 =	simm.s32 $0x100;
	s10 =	sadd.s32 s6, s7  }
0xe: {  	s7 =	sadd.s32 s8, s7;
	s20 =	sadd.s32 s1, s19;
	[dreg:$0x3] =	wrdreg s10  }
0xf: {  	s21 =	sadd.s32 s9, s19;
	s22 =	sshrl.u32 s5, $0x3;
	[dreg:$0x4] =	wrdreg s7  }
0x10: {  	s5 =	sshll.u32 s5, $0x6;
	s19 =	simm.s32 $0x900;
	[dreg:$0x5] =	wrdreg s20  }
0x11: {  	[dreg:$0x6] =	wrdreg s21;
	s6 =	sadd.s32 s6, s22;
	s23 =	sadd.s32 s8, s22  }
0x12: {  	s1 =	sadd.s32 s1, s5;
	s26 =	sadd.s32 s9, s5;
	s5 =	smax.u32 s25, $0x1  }
0x13: {  	s20 =	simm.s32 $0x1100;
	s21 =	simm.s32 $0x1900;
	[dreg:$0x7] =	wrdreg s6  }
0x14: {  	s22 =	simm.s32 $0x2100;
	s25 =	simm.s32 $0x3100;
	[dreg:$0x8] =	wrdreg s23  }
0x15: {  	v2 =	vlaneseq.u32;
	s7 =	simm.s32 $0x7100;
	s9 =	simm.s32 $0x7900;
	[dreg:$0x9] =	wrdreg s1  }
0x16: {  	vm0 =	vmmov $0xffff;
	v1 =	vshrl.u32 v2, $0x3;
	s10 =	simm.s32 $0x8900;
	s8 =	simm.s32 $0xB100;
	[dreg:$0xa] =	wrdreg s26  }
0x17: {  	v0 =	vand.u32 $0x7, v2;
	v2 =	vor.u32 $0x8, v2;
	v1 =	vmul.u32 $0x8, v1;
	s6 =	simm.s32 $0x3;
	s23 =	simm.s32 $0x2900;
	s26 =	simm.s32 $0x3900  }
.LBB2_1:
0x18: {  	s17 =	rddreg [dreg:$0x3]  }
0x19: {  	[tilespmem:s2], [sflag:$0x3] =	stream.linear.gather [hbm4b:s17+s2], $0x40, $0x38;
	[tilespmem:$0x10100] =	vst v63  }
0x1a: {  	_ =	swait.ge [sflag:s6], $0x40  }
0x1b: {  	[sflag:s6] =	ssyncset.done $0x0  }
0x1c: {  	s1 =	rddreg [dreg:$0x4];
	[sflag:s6] =	ssyncadd.s32 $0xFFFFFFC0  }
0x1d: {  	[tilespmem:s18], [sflag:$0x3] =	stream.linear.gather [hbm4b:s1+s2], $0x40, $0x38;
	[tilespmem:$0x10100] =	vst v63  }
0x1e: {  	_ =	swait.ge [sflag:s6], $0x40  }
0x1f: {  	[sflag:s6] =	ssyncset.done $0x0  }
0x20: {  	[sflag:s6] =	ssyncadd.s32 $0xFFFFFFC0  }
0x21: {  	v3 =	vld [tilespmem:$0x0];
	_ =	sdelay $0x4  }
0x22: {  	v4 =	vshll.u32 v3, $0x2  }
0x23: {  	v3 =	vand.u32 $0x7, v3;
	v4 =	vand.u32 $0xFFFFFFE0, v4  }
0x24: {  	v3 =	vor.u32 v3, v4  }
0x25: {  	v4 =	vperm.xlane v3, v0;
	_ =	sdelay $0x1  }
0x26: {  	v4 =	vadd.s32 v1, v4;
	_ =	sdelay $0x1  }
0x27: {  	v3 =	vperm.xlane v3, v2;
	_ =	sdelay $0x1  }
0x28: {  	v3 =	vadd.s32 v1, v3  }
0x29: {  	[tilespmem:s24], [sflag:$0x1] =	stream.indirect_vreg.gather [hbm4b:s3+s2], $0x80, v4, vm0, $0xb8;
	[tilespmem:$0x10100] =	vst v63  }
0x2a: {  	_ = 	snop  }
0x2b: {  	[tilespmem:s19], [sflag:$0x1] =	stream.indirect_vreg.gather [hbm4b:s4+s2], $0x80, v4, vm0, $0xb8;
	[tilespmem:$0x10100] =	vst v63  }
0x2c: {  	_ = 	snop  }
0x2d: {  	[tilespmem:s20], [sflag:$0x1] =	stream.indirect_vreg.gather [hbm4b:s3+s2], $0x80, v3, vm0, $0xb8;
	[tilespmem:$0x10100] =	vst v63  }
0x2e: {  	_ = 	snop  }
0x2f: {  	[tilespmem:s21], [sflag:$0x1] =	stream.indirect_vreg.gather [hbm4b:s4+s2], $0x80, v3, vm0, $0xb8;
	[tilespmem:$0x10100] =	vst v63  }
0x30: {  	v3 =	vld [tilespmem:$0x10];
	_ =	sdelay $0x4  }
0x31: {  	v49 =	vshll.u32 v3, $0x2  }
0x32: {  	v3 =	vand.u32 $0x7, v3;
	v4 =	vand.u32 $0xFFFFFFE0, v49  }
0x33: {  	v3 =	vor.u32 v3, v4  }
0x34: {  	v4 =	vperm.xlane v3, v0;
	_ =	sdelay $0x1  }
0x35: {  	v4 =	vadd.s32 v1, v4;
	_ =	sdelay $0x1  }
0x36: {  	v3 =	vperm.xlane v3, v2;
	_ =	sdelay $0x1  }
0x37: {  	v3 =	vadd.s32 v1, v3  }
0x38: {  	[tilespmem:s22], [sflag:$0x1] =	stream.indirect_vreg.gather [hbm4b:s3+s2], $0x80, v4, vm0, $0xb8;
	[tilespmem:$0x10100] =	vst v63  }
0x39: {  	_ = 	snop  }
0x3a: {  	[tilespmem:s23], [sflag:$0x1] =	stream.indirect_vreg.gather [hbm4b:s4+s2], $0x80, v4, vm0, $0xb8;
	[tilespmem:$0x10100] =	vst v63  }
0x3b: {  	_ = 	snop  }
0x3c: {  	[tilespmem:s25], [sflag:$0x1] =	stream.indirect_vreg.gather [hbm4b:s3+s2], $0x80, v3, vm0, $0xb8;
	[tilespmem:$0x10100] =	vst v63  }
0x3d: {  	_ = 	snop  }
0x3e: {  	[tilespmem:s26], [sflag:$0x1] =	stream.indirect_vreg.gather [hbm4b:s4+s2], $0x80, v3, vm0, $0xb8;
	[tilespmem:$0x10100] =	vst v63  }
0x3f: {  	v3 =	vld [tilespmem:$0x20];
	_ =	sdelay $0x4  }
0x40: {  	v50 =	vshll.u32 v3, $0x2  }
0x41: {  	v3 =	vand.u32 $0x7, v3;
	v4 =	vand.u32 $0xFFFFFFE0, v50  }
0x42: {  	v3 =	vor.u32 v3, v4  }
0x43: {  	v4 =	vperm.xlane v3, v0;
	_ =	sdelay $0x1  }
0x44: {  	v4 =	vadd.s32 v1, v4;
	_ =	sdelay $0x1  }
0x45: {  	v3 =	vperm.xlane v3, v2;
	_ =	sdelay $0x1  }
0x46: {  	v3 =	vadd.s32 v1, v3  }
0x47: {  	[tilespmem:s28], [sflag:$0x1] =	stream.indirect_vreg.gather [hbm4b:s3+s2], $0x80, v4, vm0, $0xb8;
	[tilespmem:$0x10100] =	vst v63  }
0x48: {  	_ = 	snop  }
0x49: {  	[tilespmem:s29], [sflag:$0x1] =	stream.indirect_vreg.gather [hbm4b:s4+s2], $0x80, v4, vm0, $0xb8;
	[tilespmem:$0x10100] =	vst v63  }
0x4a: {  	_ = 	snop  }
0x4b: {  	[tilespmem:s30], [sflag:$0x1] =	stream.indirect_vreg.gather [hbm4b:s3+s2], $0x80, v3, vm0, $0xb8;
	[tilespmem:$0x10100] =	vst v63  }
0x4c: {  	_ = 	snop  }
0x4d: {  	[tilespmem:s31], [sflag:$0x1] =	stream.indirect_vreg.gather [hbm4b:s4+s2], $0x80, v3, vm0, $0xb8;
	[tilespmem:$0x10100] =	vst v63  }
0x4e: {  	v3 =	vld [tilespmem:$0x30];
	_ =	sdelay $0x4  }
0x4f: {  	v51 =	vshll.u32 v3, $0x2  }
0x50: {  	v3 =	vand.u32 $0x7, v3;
	v4 =	vand.u32 $0xFFFFFFE0, v51  }
0x51: {  	v3 =	vor.u32 v3, v4  }
0x52: {  	v4 =	vperm.xlane v3, v0;
	_ =	sdelay $0x1  }
0x53: {  	v4 =	vadd.s32 v1, v4;
	_ =	sdelay $0x1  }
0x54: {  	v3 =	vperm.xlane v3, v2;
	_ =	sdelay $0x1  }
0x55: {  	s0 =	simm.s32 $0x6100;
	v3 =	vadd.s32 v1, v3  }
0x56: {  	[tilespmem:s0], [sflag:$0x1] =	stream.indirect_vreg.gather [hbm4b:s3+s2], $0x80, v4, vm0, $0xb8;
	[tilespmem:$0x10100] =	vst v63  }
0x57: {  	s1 =	simm.s32 $0x6900  }
0x58: {  	[tilespmem:s1], [sflag:$0x1] =	stream.indirect_vreg.gather [hbm4b:s4+s2], $0x80, v4, vm0, $0xb8;
	[tilespmem:$0x10100] =	vst v63  }
0x59: {  	_ = 	snop  }
0x5a: {  	[tilespmem:s7], [sflag:$0x1] =	stream.indirect_vreg.gather [hbm4b:s3+s2], $0x80, v3, vm0, $0xb8;
	[tilespmem:$0x10100] =	vst v63  }
0x5b: {  	_ = 	snop  }
0x5c: {  	[tilespmem:s9], [sflag:$0x1] =	stream.indirect_vreg.gather [hbm4b:s4+s2], $0x80, v3, vm0, $0xb8;
	[tilespmem:$0x10100] =	vst v63  }
0x5d: {  	v3 =	vld [tilespmem:$0x80];
	_ =	sdelay $0x4  }
0x5e: {  	v52 =	vshll.u32 v3, $0x2  }
0x5f: {  	v3 =	vand.u32 $0x7, v3;
	v4 =	vand.u32 $0xFFFFFFE0, v52  }
0x60: {  	v3 =	vor.u32 v3, v4  }
0x61: {  	v4 =	vperm.xlane v3, v0;
	_ =	sdelay $0x1  }
0x62: {  	v4 =	vadd.s32 v1, v4;
	_ =	sdelay $0x1  }
0x63: {  	v3 =	vperm.xlane v3, v2;
	_ =	sdelay $0x1  }
0x64: {  	s0 =	simm.s32 $0x8100;
	v3 =	vadd.s32 v1, v3  }
0x65: {  	[tilespmem:s0], [sflag:$0x2] =	stream.indirect_vreg.gather [hbm4b:s3+s2], $0x80, v4, vm0, $0xb8;
	[tilespmem:$0x10100] =	vst v63  }
0x66: {  	_ = 	snop  }
0x67: {  	[tilespmem:s10], [sflag:$0x2] =	stream.indirect_vreg.gather [hbm4b:s4+s2], $0x80, v4, vm0, $0xb8;
	[tilespmem:$0x10100] =	vst v63  }
0x68: {  	_ = 	snop  }
0x69: {  	[tilespmem:s11], [sflag:$0x2] =	stream.indirect_vreg.gather [hbm4b:s3+s2], $0x80, v3, vm0, $0xb8;
	[tilespmem:$0x10100] =	vst v63  }
0x6a: {  	_ = 	snop  }
0x6b: {  	[tilespmem:s12], [sflag:$0x2] =	stream.indirect_vreg.gather [hbm4b:s4+s2], $0x80, v3, vm0, $0xb8;
	[tilespmem:$0x10100] =	vst v63  }
0x6c: {  	v3 =	vld [tilespmem:$0x90];
	_ =	sdelay $0x4  }
0x6d: {  	v53 =	vshll.u32 v3, $0x2  }
0x6e: {  	v3 =	vand.u32 $0x7, v3;
	v4 =	vand.u32 $0xFFFFFFE0, v53  }
0x6f: {  	v3 =	vor.u32 v3, v4  }
0x70: {  	v4 =	vperm.xlane v3, v0;
	_ =	sdelay $0x1  }
0x71: {  	v4 =	vadd.s32 v1, v4;
	_ =	sdelay $0x1  }
0x72: {  	v3 =	vperm.xlane v3, v2;
	_ =	sdelay $0x1  }
0x73: {  	v3 =	vadd.s32 v1, v3  }
0x74: {  	[tilespmem:s13], [sflag:$0x2] =	stream.indirect_vreg.gather [hbm4b:s3+s2], $0x80, v4, vm0, $0xb8;
	[tilespmem:$0x10100] =	vst v63  }
0x75: {  	_ = 	snop  }
0x76: {  	[tilespmem:s14], [sflag:$0x2] =	stream.indirect_vreg.gather [hbm4b:s4+s2], $0x80, v4, vm0, $0xb8;
	[tilespmem:$0x10100] =	vst v63  }
0x77: {  	_ = 	snop  }
0x78: {  	[tilespmem:s8], [sflag:$0x2] =	stream.indirect_vreg.gather [hbm4b:s3+s2], $0x80, v3, vm0, $0xb8;
	[tilespmem:$0x10100] =	vst v63  }
0x79: {  	s17 =	simm.s32 $0xB900  }
0x7a: {  	[tilespmem:s17], [sflag:$0x2] =	stream.indirect_vreg.gather [hbm4b:s4+s2], $0x80, v3, vm0, $0xb8;
	[tilespmem:$0x10100] =	vst v63  }
0x7b: {  	v3 =	vld [tilespmem:$0xA0];
	_ =	sdelay $0x4  }
0x7c: {  	v54 =	vshll.u32 v3, $0x2  }
0x7d: {  	v3 =	vand.u32 $0x7, v3;
	v4 =	vand.u32 $0xFFFFFFE0, v54  }
0x7e: {  	v3 =	vor.u32 v3, v4  }
0x7f: {  	v4 =	vperm.xlane v3, v0;
	_ =	sdelay $0x1  }
0x80: {  	v4 =	vadd.s32 v1, v4;
	_ =	sdelay $0x1  }
0x81: {  	v3 =	vperm.xlane v3, v2;
	_ =	sdelay $0x1  }
0x82: {  	s17 =	simm.s32 $0xC100;
	v3 =	vadd.s32 v1, v3  }
0x83: {  	[tilespmem:s17], [sflag:$0x2] =	stream.indirect_vreg.gather [hbm4b:s3+s2], $0x80, v4, vm0, $0xb8;
	[tilespmem:$0x10100] =	vst v63  }
0x84: {  	s17 =	simm.s32 $0xC900  }
0x85: {  	[tilespmem:s17], [sflag:$0x2] =	stream.indirect_vreg.gather [hbm4b:s4+s2], $0x80, v4, vm0, $0xb8;
	[tilespmem:$0x10100] =	vst v63  }
0x86: {  	s17 =	simm.s32 $0xD100  }
0x87: {  	[tilespmem:s17], [sflag:$0x2] =	stream.indirect_vreg.gather [hbm4b:s3+s2], $0x80, v3, vm0, $0xb8;
	[tilespmem:$0x10100] =	vst v63  }
0x88: {  	s17 =	simm.s32 $0xD900  }
0x89: {  	[tilespmem:s17], [sflag:$0x2] =	stream.indirect_vreg.gather [hbm4b:s4+s2], $0x80, v3, vm0, $0xb8;
	[tilespmem:$0x10100] =	vst v63  }
0x8a: {  	v3 =	vld [tilespmem:$0xB0];
	_ =	sdelay $0x4  }
0x8b: {  	v55 =	vshll.u32 v3, $0x2  }
0x8c: {  	v3 =	vand.u32 $0x7, v3;
	v4 =	vand.u32 $0xFFFFFFE0, v55  }
0x8d: {  	v3 =	vor.u32 v3, v4  }
0x8e: {  	v4 =	vperm.xlane v3, v0;
	_ =	sdelay $0x1  }
0x8f: {  	v4 =	vadd.s32 v1, v4;
	_ =	sdelay $0x1  }
0x90: {  	v3 =	vperm.xlane v3, v2;
	_ =	sdelay $0x1  }
0x91: {  	s17 =	simm.s32 $0xE100;
	v3 =	vadd.s32 v1, v3  }
0x92: {  	[tilespmem:s17], [sflag:$0x2] =	stream.indirect_vreg.gather [hbm4b:s3+s2], $0x80, v4, vm0, $0xb8;
	[tilespmem:$0x10100] =	vst v63  }
0x93: {  	s17 =	simm.s32 $0xE900  }
0x94: {  	[tilespmem:s17], [sflag:$0x2] =	stream.indirect_vreg.gather [hbm4b:s4+s2], $0x80, v4, vm0, $0xb8;
	[tilespmem:$0x10100] =	vst v63  }
0x95: {  	s17 =	simm.s32 $0xF100  }
0x96: {  	[tilespmem:s17], [sflag:$0x2] =	stream.indirect_vreg.gather [hbm4b:s3+s2], $0x80, v3, vm0, $0xb8;
	[tilespmem:$0x10100] =	vst v63  }
0x97: {  	s17 =	simm.s32 $0xF900  }
0x98: {  	[tilespmem:s17], [sflag:$0x2] =	stream.indirect_vreg.gather [hbm4b:s4+s2], $0x80, v3, vm0, $0xb8;
	[tilespmem:$0x10100] =	vst v63  }
0x99: {  	_ =	swait.ge [sflag:s15], $0x8000  }
0x9a: {  	[sflag:s15] =	ssyncset.done $0x0  }
0x9b: {  	s17 =	rddreg [dreg:$0x5];
	[sflag:s15] =	ssyncadd.s32 $0xFFFF8000  }
0x9c: {  	[hbm4b:s17+s2] =	stream.linear.scatter [tilespmem:s24], [sflag:$0x3], $0x8000, $0x38;
	[tilespmem:$0x10100] =	vst v63  }
0x9d: {  	_ =	swait.ge [sflag:s6], $0x8000  }
0x9e: {  	[sflag:s6] =	ssyncset.done $0x0  }
0x9f: {  	[sflag:s6] =	ssyncadd.s32 $0xFFFF8000  }
0xa0: {  	_ =	swait.ge [sflag:s16], $0x8000  }
0xa1: {  	[sflag:s16] =	ssyncset.done $0x0  }
0xa2: {  	s17 =	rddreg [dreg:$0x6];
	[sflag:s16] =	ssyncadd.s32 $0xFFFF8000  }
0xa3: {  	[hbm4b:s17+s2] =	stream.linear.scatter [tilespmem:s0], [sflag:$0x3], $0x8000, $0x38;
	[tilespmem:$0x10100] =	vst v63  }
0xa4: {  	_ =	swait.ge [sflag:s6], $0x8000  }
0xa5: {  	[sflag:s6] =	ssyncset.done $0x0  }
0xa6: {  	s17 =	rddreg [dreg:$0x7];
	[sflag:s6] =	ssyncadd.s32 $0xFFFF8000  }
0xa7: {  	[tilespmem:s2], [sflag:$0x3] =	stream.linear.gather [hbm4b:s17+s2], $0x40, $0x38;
	[tilespmem:$0x10100] =	vst v63  }
0xa8: {  	_ =	swait.ge [sflag:s6], $0x40  }
0xa9: {  	[sflag:s6] =	ssyncset.done $0x0  }
0xaa: {  	s17 =	rddreg [dreg:$0x8];
	[sflag:s6] =	ssyncadd.s32 $0xFFFFFFC0  }
0xab: {  	[tilespmem:s18], [sflag:$0x3] =	stream.linear.gather [hbm4b:s17+s2], $0x40, $0x38;
	[tilespmem:$0x10100] =	vst v63  }
0xac: {  	_ =	swait.ge [sflag:s6], $0x40  }
0xad: {  	[sflag:s6] =	ssyncset.done $0x0  }
0xae: {  	[sflag:s6] =	ssyncadd.s32 $0xFFFFFFC0  }
0xaf: {  	v3 =	vld [tilespmem:$0x0];
	_ =	sdelay $0x4  }
0xb0: {  	v56 =	vshll.u32 v3, $0x2  }
0xb1: {  	v3 =	vand.u32 $0x7, v3;
	v4 =	vand.u32 $0xFFFFFFE0, v56  }
0xb2: {  	v3 =	vor.u32 v3, v4  }
0xb3: {  	v4 =	vperm.xlane v3, v0;
	_ =	sdelay $0x1  }
0xb4: {  	v4 =	vadd.s32 v1, v4;
	_ =	sdelay $0x1  }
0xb5: {  	v3 =	vperm.xlane v3, v2;
	_ =	sdelay $0x1  }
0xb6: {  	v3 =	vadd.s32 v1, v3  }
0xb7: {  	[tilespmem:s24], [sflag:$0x1] =	stream.indirect_vreg.gather [hbm4b:s3+s2], $0x80, v4, vm0, $0xb8;
	[tilespmem:$0x10100] =	vst v63  }
0xb8: {  	_ = 	snop  }
0xb9: {  	[tilespmem:s19], [sflag:$0x1] =	stream.indirect_vreg.gather [hbm4b:s4+s2], $0x80, v4, vm0, $0xb8;
	[tilespmem:$0x10100] =	vst v63  }
0xba: {  	_ = 	snop  }
0xbb: {  	[tilespmem:s20], [sflag:$0x1] =	stream.indirect_vreg.gather [hbm4b:s3+s2], $0x80, v3, vm0, $0xb8;
	[tilespmem:$0x10100] =	vst v63  }
0xbc: {  	_ = 	snop  }
0xbd: {  	[tilespmem:s21], [sflag:$0x1] =	stream.indirect_vreg.gather [hbm4b:s4+s2], $0x80, v3, vm0, $0xb8;
	[tilespmem:$0x10100] =	vst v63  }
0xbe: {  	v3 =	vld [tilespmem:$0x10];
	_ =	sdelay $0x4  }
0xbf: {  	v57 =	vshll.u32 v3, $0x2  }
0xc0: {  	v3 =	vand.u32 $0x7, v3;
	v4 =	vand.u32 $0xFFFFFFE0, v57  }
0xc1: {  	v3 =	vor.u32 v3, v4  }
0xc2: {  	v4 =	vperm.xlane v3, v0;
	_ =	sdelay $0x1  }
0xc3: {  	v4 =	vadd.s32 v1, v4;
	_ =	sdelay $0x1  }
0xc4: {  	v3 =	vperm.xlane v3, v2;
	_ =	sdelay $0x1  }
0xc5: {  	v3 =	vadd.s32 v1, v3  }
0xc6: {  	[tilespmem:s22], [sflag:$0x1] =	stream.indirect_vreg.gather [hbm4b:s3+s2], $0x80, v4, vm0, $0xb8;
	[tilespmem:$0x10100] =	vst v63  }
0xc7: {  	_ = 	snop  }
0xc8: {  	[tilespmem:s23], [sflag:$0x1] =	stream.indirect_vreg.gather [hbm4b:s4+s2], $0x80, v4, vm0, $0xb8;
	[tilespmem:$0x10100] =	vst v63  }
0xc9: {  	_ = 	snop  }
0xca: {  	[tilespmem:s25], [sflag:$0x1] =	stream.indirect_vreg.gather [hbm4b:s3+s2], $0x80, v3, vm0, $0xb8;
	[tilespmem:$0x10100] =	vst v63  }
0xcb: {  	_ = 	snop  }
0xcc: {  	[tilespmem:s26], [sflag:$0x1] =	stream.indirect_vreg.gather [hbm4b:s4+s2], $0x80, v3, vm0, $0xb8;
	[tilespmem:$0x10100] =	vst v63  }
0xcd: {  	v3 =	vld [tilespmem:$0x20];
	_ =	sdelay $0x4  }
0xce: {  	v58 =	vshll.u32 v3, $0x2  }
0xcf: {  	v3 =	vand.u32 $0x7, v3;
	v4 =	vand.u32 $0xFFFFFFE0, v58  }
0xd0: {  	v3 =	vor.u32 v3, v4  }
0xd1: {  	v4 =	vperm.xlane v3, v0;
	_ =	sdelay $0x1  }
0xd2: {  	v4 =	vadd.s32 v1, v4;
	_ =	sdelay $0x1  }
0xd3: {  	v3 =	vperm.xlane v3, v2;
	_ =	sdelay $0x1  }
0xd4: {  	v3 =	vadd.s32 v1, v3  }
0xd5: {  	[tilespmem:s28], [sflag:$0x1] =	stream.indirect_vreg.gather [hbm4b:s3+s2], $0x80, v4, vm0, $0xb8;
	[tilespmem:$0x10100] =	vst v63  }
0xd6: {  	_ = 	snop  }
0xd7: {  	[tilespmem:s29], [sflag:$0x1] =	stream.indirect_vreg.gather [hbm4b:s4+s2], $0x80, v4, vm0, $0xb8;
	[tilespmem:$0x10100] =	vst v63  }
0xd8: {  	_ = 	snop  }
0xd9: {  	[tilespmem:s30], [sflag:$0x1] =	stream.indirect_vreg.gather [hbm4b:s3+s2], $0x80, v3, vm0, $0xb8;
	[tilespmem:$0x10100] =	vst v63  }
0xda: {  	_ = 	snop  }
0xdb: {  	[tilespmem:s31], [sflag:$0x1] =	stream.indirect_vreg.gather [hbm4b:s4+s2], $0x80, v3, vm0, $0xb8;
	[tilespmem:$0x10100] =	vst v63  }
0xdc: {  	v3 =	vld [tilespmem:$0x30];
	_ =	sdelay $0x4  }
0xdd: {  	v59 =	vshll.u32 v3, $0x2  }
0xde: {  	v3 =	vand.u32 $0x7, v3;
	v4 =	vand.u32 $0xFFFFFFE0, v59  }
0xdf: {  	v3 =	vor.u32 v3, v4  }
0xe0: {  	v4 =	vperm.xlane v3, v0;
	_ =	sdelay $0x1  }
0xe1: {  	v4 =	vadd.s32 v1, v4;
	_ =	sdelay $0x1  }
0xe2: {  	v3 =	vperm.xlane v3, v2;
	_ =	sdelay $0x1  }
0xe3: {  	s17 =	simm.s32 $0x6100;
	v3 =	vadd.s32 v1, v3  }
0xe4: {  	[tilespmem:s17], [sflag:$0x1] =	stream.indirect_vreg.gather [hbm4b:s3+s2], $0x80, v4, vm0, $0xb8;
	[tilespmem:$0x10100] =	vst v63  }
0xe5: {  	_ = 	snop  }
0xe6: {  	[tilespmem:s1], [sflag:$0x1] =	stream.indirect_vreg.gather [hbm4b:s4+s2], $0x80, v4, vm0, $0xb8;
	[tilespmem:$0x10100] =	vst v63  }
0xe7: {  	_ = 	snop  }
0xe8: {  	[tilespmem:s7], [sflag:$0x1] =	stream.indirect_vreg.gather [hbm4b:s3+s2], $0x80, v3, vm0, $0xb8;
	[tilespmem:$0x10100] =	vst v63  }
0xe9: {  	_ = 	snop  }
0xea: {  	[tilespmem:s9], [sflag:$0x1] =	stream.indirect_vreg.gather [hbm4b:s4+s2], $0x80, v3, vm0, $0xb8;
	[tilespmem:$0x10100] =	vst v63  }
0xeb: {  	v3 =	vld [tilespmem:$0x80];
	_ =	sdelay $0x4  }
0xec: {  	v60 =	vshll.u32 v3, $0x2  }
0xed: {  	v3 =	vand.u32 $0x7, v3;
	v4 =	vand.u32 $0xFFFFFFE0, v60  }
0xee: {  	v3 =	vor.u32 v3, v4  }
0xef: {  	v4 =	vperm.xlane v3, v0;
	_ =	sdelay $0x1  }
0xf0: {  	v4 =	vadd.s32 v1, v4;
	_ =	sdelay $0x1  }
0xf1: {  	v3 =	vperm.xlane v3, v2;
	_ =	sdelay $0x1  }
0xf2: {  	v3 =	vadd.s32 v1, v3  }
0xf3: {  	[tilespmem:s0], [sflag:$0x2] =	stream.indirect_vreg.gather [hbm4b:s3+s2], $0x80, v4, vm0, $0xb8;
	[tilespmem:$0x10100] =	vst v63  }
0xf4: {  	_ = 	snop  }
0xf5: {  	[tilespmem:s10], [sflag:$0x2] =	stream.indirect_vreg.gather [hbm4b:s4+s2], $0x80, v4, vm0, $0xb8;
	[tilespmem:$0x10100] =	vst v63  }
0xf6: {  	_ = 	snop  }
0xf7: {  	[tilespmem:s11], [sflag:$0x2] =	stream.indirect_vreg.gather [hbm4b:s3+s2], $0x80, v3, vm0, $0xb8;
	[tilespmem:$0x10100] =	vst v63  }
0xf8: {  	_ = 	snop  }
0xf9: {  	[tilespmem:s12], [sflag:$0x2] =	stream.indirect_vreg.gather [hbm4b:s4+s2], $0x80, v3, vm0, $0xb8;
	[tilespmem:$0x10100] =	vst v63  }
0xfa: {  	v3 =	vld [tilespmem:$0x90];
	_ =	sdelay $0x4  }
0xfb: {  	v61 =	vshll.u32 v3, $0x2  }
0xfc: {  	v3 =	vand.u32 $0x7, v3;
	v4 =	vand.u32 $0xFFFFFFE0, v61  }
0xfd: {  	v3 =	vor.u32 v3, v4  }
0xfe: {  	v4 =	vperm.xlane v3, v0;
	_ =	sdelay $0x1  }
0xff: {  	v4 =	vadd.s32 v1, v4;
	_ =	sdelay $0x1  }
0x100: {  	v3 =	vperm.xlane v3, v2;
	_ =	sdelay $0x1  }
0x101: {  	v3 =	vadd.s32 v1, v3  }
0x102: {  	[tilespmem:s13], [sflag:$0x2] =	stream.indirect_vreg.gather [hbm4b:s3+s2], $0x80, v4, vm0, $0xb8;
	[tilespmem:$0x10100] =	vst v63  }
0x103: {  	_ = 	snop  }
0x104: {  	[tilespmem:s14], [sflag:$0x2] =	stream.indirect_vreg.gather [hbm4b:s4+s2], $0x80, v4, vm0, $0xb8;
	[tilespmem:$0x10100] =	vst v63  }
0x105: {  	_ = 	snop  }
0x106: {  	[tilespmem:s8], [sflag:$0x2] =	stream.indirect_vreg.gather [hbm4b:s3+s2], $0x80, v3, vm0, $0xb8;
	[tilespmem:$0x10100] =	vst v63  }
0x107: {  	s17 =	simm.s32 $0xB900  }
0x108: {  	[tilespmem:s17], [sflag:$0x2] =	stream.indirect_vreg.gather [hbm4b:s4+s2], $0x80, v3, vm0, $0xb8;
	[tilespmem:$0x10100] =	vst v63  }
0x109: {  	v3 =	vld [tilespmem:$0xA0];
	_ =	sdelay $0x4  }
0x10a: {  	v62 =	vshll.u32 v3, $0x2  }
0x10b: {  	v3 =	vand.u32 $0x7, v3;
	v4 =	vand.u32 $0xFFFFFFE0, v62  }
0x10c: {  	v3 =	vor.u32 v3, v4  }
0x10d: {  	v4 =	vperm.xlane v3, v0;
	_ =	sdelay $0x1  }
0x10e: {  	v4 =	vadd.s32 v1, v4;
	_ =	sdelay $0x1  }
0x10f: {  	v3 =	vperm.xlane v3, v2;
	_ =	sdelay $0x1  }
0x110: {  	s17 =	simm.s32 $0xC100;
	v3 =	vadd.s32 v1, v3  }
0x111: {  	[tilespmem:s17], [sflag:$0x2] =	stream.indirect_vreg.gather [hbm4b:s3+s2], $0x80, v4, vm0, $0xb8;
	[tilespmem:$0x10100] =	vst v63  }
0x112: {  	s17 =	simm.s32 $0xC900  }
0x113: {  	[tilespmem:s17], [sflag:$0x2] =	stream.indirect_vreg.gather [hbm4b:s4+s2], $0x80, v4, vm0, $0xb8;
	[tilespmem:$0x10100] =	vst v63  }
0x114: {  	s17 =	simm.s32 $0xD100  }
0x115: {  	[tilespmem:s17], [sflag:$0x2] =	stream.indirect_vreg.gather [hbm4b:s3+s2], $0x80, v3, vm0, $0xb8;
	[tilespmem:$0x10100] =	vst v63  }
0x116: {  	s17 =	simm.s32 $0xD900  }
0x117: {  	[tilespmem:s17], [sflag:$0x2] =	stream.indirect_vreg.gather [hbm4b:s4+s2], $0x80, v3, vm0, $0xb8;
	[tilespmem:$0x10100] =	vst v63  }
0x118: {  	v3 =	vld [tilespmem:$0xB0];
	_ =	sdelay $0x4  }
0x119: {  	v63 =	vshll.u32 v3, $0x2  }
0x11a: {  	v3 =	vand.u32 $0x7, v3;
	v4 =	vand.u32 $0xFFFFFFE0, v63  }
0x11b: {  	v3 =	vor.u32 v3, v4  }
0x11c: {  	v4 =	vperm.xlane v3, v0;
	_ =	sdelay $0x1  }
0x11d: {  	v4 =	vadd.s32 v1, v4;
	_ =	sdelay $0x1  }
0x11e: {  	v3 =	vperm.xlane v3, v2;
	_ =	sdelay $0x1  }
0x11f: {  	s17 =	simm.s32 $0xE100;
	v3 =	vadd.s32 v1, v3  }
0x120: {  	[tilespmem:s17], [sflag:$0x2] =	stream.indirect_vreg.gather [hbm4b:s3+s2], $0x80, v4, vm0, $0xb8;
	[tilespmem:$0x10100] =	vst v63  }
0x121: {  	s17 =	simm.s32 $0xE900  }
0x122: {  	[tilespmem:s17], [sflag:$0x2] =	stream.indirect_vreg.gather [hbm4b:s4+s2], $0x80, v4, vm0, $0xb8;
	[tilespmem:$0x10100] =	vst v63  }
0x123: {  	s17 =	simm.s32 $0xF100  }
0x124: {  	[tilespmem:s17], [sflag:$0x2] =	stream.indirect_vreg.gather [hbm4b:s3+s2], $0x80, v3, vm0, $0xb8;
	[tilespmem:$0x10100] =	vst v63  }
0x125: {  	s17 =	simm.s32 $0xF900  }
0x126: {  	[tilespmem:s17], [sflag:$0x2] =	stream.indirect_vreg.gather [hbm4b:s4+s2], $0x80, v3, vm0, $0xb8;
	[tilespmem:$0x10100] =	vst v63  }
0x127: {  	_ =	swait.ge [sflag:s15], $0x8000  }
0x128: {  	[sflag:s15] =	ssyncset.done $0x0  }
0x129: {  	s1 =	rddreg [dreg:$0x9];
	[sflag:s15] =	ssyncadd.s32 $0xFFFF8000  }
0x12a: {  	[hbm4b:s1+s2] =	stream.linear.scatter [tilespmem:s24], [sflag:$0x3], $0x8000, $0x38;
	[tilespmem:$0x10100] =	vst v63  }
0x12b: {  	_ =	swait.ge [sflag:s6], $0x8000  }
0x12c: {  	[sflag:s6] =	ssyncset.done $0x0  }
0x12d: {  	[sflag:s6] =	ssyncadd.s32 $0xFFFF8000  }
0x12e: {  	_ =	swait.ge [sflag:s16], $0x8000  }
0x12f: {  	p0 =	sne.s32 s5, $0x1;
	[sflag:s16] =	ssyncset.done $0x0  }
.Ltmp0:
0x130: {  	s1 =	rddreg [dreg:$0xa];
	[sflag:s16] =	ssyncadd.s32 $0xFFFF8000;
	(pc) =	sbr.rel @p0 .LBB2_1-.Ltmp0, $4  }
0x131: {  	[hbm4b:s1+s2] =	stream.linear.scatter [tilespmem:s0], [sflag:$0x3], $0x8000, $0x38;
	[tilespmem:$0x10100] =	vst v63  }
0x132: {  	_ =	swait.ge [sflag:s6], $0x8000  }
0x133: {  	[sflag:s6] =	ssyncset.done $0x0  }
0x134: {  	s5 =	sadd.s32 $0xFFFFFFFF, s5;
	[sflag:s6] =	ssyncadd.s32 $0xFFFF8000  }
0x135: {  	_ =	sfence.sel $0x180000  }
0x136: {  	[bflag:$0x0] =	sbarrier.arrive $0xFFFF  }
0x137: {  	_ =	strace $0x9000004A  }
0x138: {  	s0 =	stileid.u32;
	[bflag:$0x2] =	sbarrier.arrive $0xFFFF  }
0x139: {  	p0 =	sne.s32 s0, $0x0;
	s0 =	rddreg [dreg:$0x2]  }
0x13a: {  	s0 =	sadd.s32 @!p0 $0x100000, s0  }
0x13b: {  	[sflag:s0] =	ssyncadd.tile.s32 @!p0 $0x1;
	_ =	shalt  }
.Lfunc_end2:
_tile_overlayer_lowered:
.L_overlay_start_2:
0x13c: {  	(tag) =	ssettag $0x2  }
0x13d: {  	s0 =	rddreg [dreg:$0x0];
	s2 =	stileid.u32  }
0x13e: {  	s1 =	rddreg [dreg:$0x1];
	p0 =	sne.s32 s2, $0x0  }
0x13f: {  	s3 =	rddreg [dreg:$0x2];
	[bflag:$0x3] =	sbarrier.arrive $0xFFFF;
	s2 =	simm.s32 @!p0 $0x1C03  }
0x140: {  	[timem:s3], [sflag:s2] =	dma.local @!p0 [hbm:s0], s1  }
0x141: {  	s0 =	simm.s32 @!p0 $0x3  }
0x142: {  	_ =	swait.ge @!p0 [sflag:s0], s1  }
0x143: {  	s1 =	ssub.s32 @!p0 $0x0, s1;
	[sflag:s0] =	ssyncset.done @!p0 $0x0  }
0x144: {  	[sflag:s0] =	ssyncadd.s32 @!p0 s1  }
0x145: {  	[bflag:$0x3] =	sbarrier.arrive $0xFFFF  }
0x146: {  	_ =	shalt  }

// kernel: kernel.8.cloned.1.call-start
scs
__scs_entry_jumppad:
0x0: {  	(pc) =	sbr.rel $0x88, $3  }
0x1: {  	(tag) =	ssettag $0x0;
	lr =	simm.s32 $0x1  }
0x2: {  	[smem:$0x3F9B] =	sst lr;
	_ =	strace $0xD0000000  }
0x3: {  	_ = 	snop  }
0x4: {  	_ = 	snop  }
0x5: {  	_ = 	snop  }
0x6: {  	_ = 	snop  }
0x7: {  	_ = 	snop  }
__scs_overlays_trampoline_lowered:
0x8: {  	[smem:$0x3FAA] =	sst s0  }
0x9: {  	[smem:$0x3FAB] =	sst s1  }
0xa: {  	[smem:$0x3FAC] =	sst s2  }
0xb: {  	[smem:$0x3FAD] =	sst s3  }
0xc: {  	[smem:$0x3FAE] =	sst s4  }
0xd: {  	[smem:$0x3FAF] =	sst s5  }
0xe: {  	[smem:$0x3FB0] =	sst s6  }
0xf: {  	[smem:$0x3FB1] =	sst s7  }
0x10: {  	[smem:$0x3FB2] =	sst s8  }
0x11: {  	[smem:$0x3FB3] =	sst s9;
	s0 =	simm.s32 @!p0 $0x0  }
0x12: {  	s1 =	sld [smem:$0x3F99];
	s0 =	simm.s32 @p0 $0x1  }
0x13: {  	[smem:$0x3FB4] =	sst s0;
	s0 =	simm.s32 @!p1 $0x0  }
0x14: {  	s2 =	sld [smem:$0x3F98];
	s0 =	simm.s32 @p1 $0x1  }
0x15: {  	[smem:$0x3FB5] =	sst s0;
	s0 =	simm.s32 @!p2 $0x0  }
0x16: {  	s3 =	sld [smem:$0x3FDB];
	s0 =	simm.s32 @p2 $0x1  }
0x17: {  	s4 =	simm.s32 $0x1BF5;
	[smem:$0x3FB7] =	sst s0  }
0x18: {  	s0 =	sld [smem:$0x3F9A];
	_ =	swait.ge [sflag:s4], $0x0  }
0x19: {  	s7 =	sld [smem:$0x3F9B]  }
0x1a: {  	s8 =	sadd.s32 $0xFFFFE003, lr  }
0x1b: {  	s9 =	sadd.s32 $0xFFFFFEF7, lr;
	s5 =	simm.s32 $0xFFFFFFFF;
	p2 =	slt.u32 s8, $0xFFFFF086  }
0x1c: {  	p1 =	slt.u32 s9, $0xF7A;
	s5 =	simm.s32 @!p2 $0x0  }
0x1d: {  	s5 =	simm.s32 @p1 $0x1;
	p0 =	seq.s32 s7, s2  }
0x1e: {  	s7 =	smul.u32 @!p0 $0xF7A, s2;
	p2 =	seq.s32 @!p0 s5, $0x0  }
0x1f: {  	s9 =	smul.u32 $0xF7A, s1;
	s8 =	simm.s32 @!p0 $0x1BF5;
	p2 =	por !p2, p0  }
0x20: {  	[sflag:s8] =	ssyncset.s32 @!p0 $0xFFFFF086;
	s6 =	sadd.s32 @!p0 s3, s7;
	s7 =	simm.s32 @!p0 $0x108  }
0x21: {  	s3 =	sadd.s32 s3, s9;
	s6 =	sadd.s32 @!p0 $0x88, s6;
	s7 =	simm.s32 @p2 $0x1082  }
0x22: {  	[simem:s7], [sflag:s8] =	dma.local @!p0 [hbm:s6], $0xF7A  }
0x23: {  	s9 =	sor.u32 $0xD0000000, s2;
	s6 =	simm.s32 $0x108;
	_ =	swait.ge @!p0 [sflag:s8], $0x0  }
0x24: {  	s3 =	sadd.s32 $0x88, s3;
	s6 =	simm.s32 @!p1 $0x1082;
	[sflag:s4] =	ssyncset.s32 $0xFFFFF086  }
0x25: {  	[simem:s6], [sflag:s4] =	dma.local [hbm:s3], $0xF7A  }
0x26: {  	[smem:$0x3F9B] =	sst s1;
	(tag) =	ssettag s2;
	_ =	strace s9  }
0x27: {  	s1 =	sld [smem:$0x3FAB]  }
0x28: {  	s2 =	sld [smem:$0x3FAC]  }
0x29: {  	s4 =	sld [smem:$0x3FAE]  }
0x2a: {  	p0 =	seq.s32 s5, $0x0;
	s5 =	sld [smem:$0x3FAF]  }
0x2b: {  	s6 =	sld [smem:$0x3FB0]  }
0x2c: {  	s7 =	sld [smem:$0x3FB1]  }
0x2d: {  	s3 =	simm.s32 $0x108;
	s8 =	sld [smem:$0x3FB2]  }
0x2e: {  	s3 =	simm.s32 @!p0 $0x1082;
	s9 =	sld [smem:$0x3FB3]  }
0x2f: {  	lr =	sadd.s32 s0, s3;
	s0 =	sld [smem:$0x3FAA]  }
0x30: {  	s3 =	sld [smem:$0x3FAD]  }
0x31: {  	[smem:$0x3FB6] =	sst s10  }
0x32: {  	s10 =	sld [smem:$0x3FB4];
	_ =	sdelay $0x3  }
0x33: {  	p0 =	seq.s32 s10, $0x1;
	s10 =	sld [smem:$0x3FB6];
	_ =	sdelay $0x3  }
0x34: {  	[smem:$0x3FB6] =	sst s10  }
0x35: {  	s10 =	sld [smem:$0x3FB5];
	_ =	sdelay $0x3  }
0x36: {  	p1 =	seq.s32 s10, $0x1;
	s10 =	sld [smem:$0x3FB6];
	_ =	sdelay $0x3  }
0x37: {  	[smem:$0x3FB6] =	sst s10  }
0x38: {  	s10 =	sld [smem:$0x3FB7]  }
0x39: {  	_ = 	snop;
	(pc) =	sbr.ind lr, $3  }
0x3a: {  	_ = 	snop  }
0x3b: {  	_ = 	snop  }
0x3c: {  	p2 =	seq.s32 s10, $0x1;
	s10 =	sld [smem:$0x3FB6]  }
0x3d: {  	_ =	shalt  }
0x3e: {  	_ =	shalt  }
0x3f: {  	_ =	shalt  }
0x40: {  	_ =	shalt  }
0x41: {  	_ =	shalt  }
0x42: {  	_ =	shalt  }
0x43: {  	_ =	shalt  }
0x44: {  	_ =	shalt  }
0x45: {  	_ =	shalt  }
0x46: {  	_ =	shalt  }
0x47: {  	_ =	shalt  }
0x48: {  	_ =	shalt  }
0x49: {  	_ =	shalt  }
0x4a: {  	_ =	shalt  }
0x4b: {  	_ =	shalt  }
0x4c: {  	_ =	shalt  }
0x4d: {  	_ =	shalt  }
0x4e: {  	_ =	shalt  }
0x4f: {  	_ =	shalt  }
0x50: {  	_ =	shalt  }
0x51: {  	_ =	shalt  }
0x52: {  	_ =	shalt  }
0x53: {  	_ =	shalt  }
0x54: {  	_ =	shalt  }
0x55: {  	_ =	shalt  }
0x56: {  	_ =	shalt  }
0x57: {  	_ =	shalt  }
0x58: {  	_ =	shalt  }
0x59: {  	_ =	shalt  }
0x5a: {  	_ =	shalt  }
0x5b: {  	_ =	shalt  }
0x5c: {  	_ =	shalt  }
0x5d: {  	_ =	shalt  }
0x5e: {  	_ =	shalt  }
0x5f: {  	_ =	shalt  }
0x60: {  	_ =	shalt  }
0x61: {  	_ =	shalt  }
0x62: {  	_ =	shalt  }
0x63: {  	_ =	shalt  }
0x64: {  	_ =	shalt  }
0x65: {  	_ =	shalt  }
0x66: {  	_ =	shalt  }
0x67: {  	_ =	shalt  }
0x68: {  	_ =	shalt  }
0x69: {  	_ =	shalt  }
0x6a: {  	_ =	shalt  }
0x6b: {  	_ =	shalt  }
0x6c: {  	_ =	shalt  }
0x6d: {  	_ =	shalt  }
0x6e: {  	_ =	shalt  }
0x6f: {  	_ =	shalt  }
0x70: {  	_ =	shalt  }
0x71: {  	_ =	shalt  }
0x72: {  	_ =	shalt  }
0x73: {  	_ =	shalt  }
0x74: {  	_ =	shalt  }
0x75: {  	_ =	shalt  }
0x76: {  	_ =	shalt  }
0x77: {  	_ =	shalt  }
0x78: {  	_ =	shalt  }
0x79: {  	_ =	shalt  }
0x7a: {  	_ =	shalt  }
0x7b: {  	_ =	shalt  }
0x7c: {  	_ =	shalt  }
0x7d: {  	_ =	shalt  }
0x7e: {  	_ =	shalt  }
0x7f: {  	_ =	shalt  }
0x80: {  	_ =	shalt  }
0x81: {  	_ =	shalt  }
0x82: {  	_ =	shalt  }
0x83: {  	_ =	shalt  }
0x84: {  	_ =	shalt  }
0x85: {  	_ =	shalt  }
0x86: {  	_ =	shalt  }
0x87: {  	_ =	shalt  }
.Lfunc_end0:
.L_simem_size_0:
called_computation_lowered:
.L_overlay_start_0:
0x88: {  	s2 =	sld [smem:$0x3FD9]  }
0x89: {  	s3 =	sld [smem:$0x3FFE];
	_ =	sdelay $0x1  }
0x8a: {  	s1 =	srdreg.scid  }
0x8b: {  	s0 =	sand.u32 $0x1, s1  }
0x8c: {  	s17 =	sshll.u32 s0, $0xA;
	s2 =	sadd.s32 s3, s2  }
0x8d: {  	s2 =	sadd.s32 s2, s17  }
0x8e: {  	[smem:$0x3FC2] =	sst s2  }
0x8f: {  	_ = 	snop  }
0x90: {  	s2 =	sld [smem:$0x3FD0];
	(tm) =	ssettm $0x1  }
0x91: {  	s18 =	sld [smem:$0x3FFB];
	_ =	sdelay $0x3  }
0x92: {  	_ =	strace s18  }
0x93: {  	s3 =	sld [smem:$0x3FFC];
	_ =	sdelay $0x3  }
0x94: {  	_ =	strace s3  }
0x95: {  	s3 =	sld [smem:$0x3FFD];
	_ =	sdelay $0x3  }
0x96: {  	_ =	strace s3  }
0x97: {  	_ =	strace $0x8FFFFFFF  }
0x98: {  	s19 =	sld [smem:$0x3FDB];
	_ =	sdelay $0x1  }
0x99: {  	s4 =	simm.s32 $_scs_section_size  }
0x9a: {  	s5 =	simm.s32 $_size__tile_overlayer_lowered;
	s6 =	simm.s32 $_tile_overlayer_lowered  }
0x9b: {  	s22 =	simm.s32 $0x1BFF;
	s21 =	sshll.u32 s6, $0x1;
	s3 =	sadd.s32 s4, s19  }
0x9c: {  	s7 =	simm.s32 $0x0;
	s20 =	sshll.u32 s5, $0x1;
	s5 =	sadd.s32 s21, s3  }
0x9d: {  	[timem:s7], [sflag:s22] =	dma.local [hbm:s5], s20  }
0x9e: {  	_ =	swait.ge [sflag:s22], s20  }
0x9f: {  	s4 =	ssub.s32 $0x0, s20;
	[sflag:s22] =	ssyncset.done $0x0  }
0xa0: {  	[sflag:s22] =	ssyncadd.s32 s4;
	_ =	sdelay $0x1  }
0xa1: {  	s23 =	simm.s32 $0x1B8B  }
0xa2: {  	_ =	swait.ge [sflag:s23], $0x1  }
0xa3: {  	[sflag:s23] =	ssyncset.done $0x0  }
0xa4: {  	s25 =	simm.s32 $0x1B8E;
	s24 =	sld [smem:$0x3FFE];
	[sflag:s23] =	ssyncadd.s32 $0xFFFFFFFF  }
0xa5: {  	s26 =	simm.s32 $execute0_lowered;
	[smem:$0x3FD2] =	sst s25  }
0xa6: {  	s5 =	sshll.u32 s26, $0x1;
	_ =	strace $0x80000046;
	[dreg:$0x1] =	wrdreg $0xFFFFFFFF  }
0xa7: {  	s28 =	simm.s32 $_size_execute0_lowered;
	s3 =	sadd.s32 s3, s5;
	[dreg:$0x0] =	wrdreg $0x0  }
0xa8: {  	s5 =	sshll.u32 s28, $0x1;
	[dreg:$0x2] =	wrdreg s3  }
0xa9: {  	[dreg:$0x3] =	wrdreg s5  }
0xaa: {  	[dreg:$0x4] =	wrdreg $0xC0  }
0xab: {  	_ =	task [dreg:s7], $0x5FFFF  }
0xac: {  	[dreg:$0x1] =	wrdreg $0xFFFFFFFF  }
0xad: {  	[dreg:$0x0] =	wrdreg $0x60  }
0xae: {  	[dreg:$0x2] =	wrdreg s2  }
0xaf: {  	[dreg:$0x3] =	wrdreg s24  }
0xb0: {  	[dreg:$0x4] =	wrdreg $0x9  }
0xb1: {  	_ =	task.clear_ibuf [dreg:s7], $0x5FFFF;
	_ =	strace $0x90000046  }
0xb2: {  	s29 =	simm.s32 $0x9;
	_ =	strace $0x80000048  }
0xb3: {  	_ =	swait.ge [sflag:s29], $0x1  }
0xb4: {  	[sflag:s29] =	ssyncadd.s32 $0xFFFFFFFF  }
0xb5: {  	_ =	strace $0x90000048  }
0xb6: {  	_ =	sfence  }
0xb7: {  	s30 =	sld [smem:$0x0];
	_ =	sdelay $0x2  }
0xb8: {  	s31 =	sshll.u32 s1, $0xD;
	s1 =	sshrl.u32 s1, $0x2  }
0xb9: {  	s3 =	sand.u32 $0x4000, s31;
	s1 =	sadd.s32 s1, s30  }
0xba: {  	s0 =	sor.u32 s3, s0;
	s1 =	sshll.u32 s1, $0x11  }
0xbb: {  	s0 =	sor.u32 s1, s0  }
0xbc: {  	s0 =	sadd.s32 $0x8F2B, s0  }
0xbd: {  	[sflag:s0] =	ssyncadd.remote.s32 $0x1  }
0xbe: {  	_ =	sfence.sel $0xFFFF  }
0xbf: {  	[dreg:$0x0] =	wrdreg $0xFFFFFFFF;
	(pc) =	sbr.abs _section_cstart, $3  }
0xc0: {  	[dreg:$0x1] =	wrdreg $0xFFFFFFFF  }
0xc1: {  	_ =	task.clear_ibuf [dreg:s7], $0x2FFFF;
	_ =	strace $0x9FFFFFFF  }
0xc2: {  	(tm) =	ssettm $0x7FFFFFFF  }
0xc3: {  	_ =	shalt  }
tec
execute0_lowered:
.L_overlay_start_1:
0x0: {  	(tag) =	ssettag $0x1  }
0x1: {  	s0 =	srdreg.scid  }
0x2: {  	s3 =	stileid.u32;
	s1 =	rddreg [dreg:$0x0]  }
0x3: {  	s4 =	rddreg [dreg:$0x1];
	s26 =	simm.s32 $0x80;
	s14 =	simm.s32 $0x100  }
0x4: {  	s18 =	simm.s32 $0x1900;
	s19 =	simm.s32 $0x2100;
	s20 =	simm.s32 $0x2900  }
0x5: {  	s21 =	simm.s32 $0x3100;
	s22 =	simm.s32 $0x3900;
	s23 =	simm.s32 $0x4100  }
0x6: {  	s24 =	simm.s32 $0x4900;
	s28 =	simm.s32 $0x6100;
	s29 =	simm.s32 $0x6900  }
0x7: {  	s30 =	simm.s32 $0x7100;
	s31 =	simm.s32 $0x7900;
	s8 =	simm.s32 $0x9100  }
0x8: {  	s9 =	simm.s32 $0x9900;
	s10 =	simm.s32 $0xA100;
	s11 =	simm.s32 $0xA900  }
0x9: {  	s12 =	simm.s32 $0xB100;
	s13 =	simm.s32 $0xB900;
	s0 =	sand.u32 $0x1, s0  }
0xa: {  	s7 =	simm.s32 $0xC100;
	s3 =	sshll.u32 s3, $0x7;
	s2 =	sshll.u32 s0, $0xB  }
0xb: {  	s15 =	simm.s32 $0xC900;
	s0 =	ssub.s32 $0x2, s0;
	s3 =	sor.u32 s3, s2  }
0xc: {  	s2 =	simm.s32 $0x0;
	s25 =	sshrl.u32 s0, $0x1;
	s5 =	sshrl.u32 s3, $0x3  }
0xd: {  	[smem:$0x7FF] =	sst s2;
	s3 =	sshll.u32 s3, $0x6;
	s0 =	ssub.s32 s0, s25  }
0xe: {  	s25 =	simm.s32 $0x5100;
	s5 =	sadd.s32 s5, s4;
	_ =	strace $0x80000047  }
0xf: {  	s1 =	sadd.s32 s1, s3;
	s3 =	sadd.s32 $0xC00, s4;
	[dreg:$0x6] =	wrdreg s26  }
0x10: {  	v2 =	vlaneseq.u32;
	s4 =	sadd.s32 $0xD00, s4;
	s6 =	sadd.s32 $0x800, s5;
	[dreg:$0x5] =	wrdreg s1  }
0x11: {  	vm0 =	vmmov $0xffff;
	v1 =	vshrl.u32 v2, $0x3;
	s26 =	simm.s32 $0x5900;
	s5 =	sadd.s32 $0xA00, s5;
	[dreg:$0x3] =	wrdreg s6  }
0x12: {  	v0 =	vand.u32 $0x7, v2;
	v2 =	vor.u32 $0x8, v2;
	v1 =	vmul.u32 $0x8, v1;
	[dreg:$0x4] =	wrdreg s5;
	s5 =	smax.u32 s0, $0x1;
	s6 =	simm.s32 $0x3  }
.LBB2_1:
0x13: {  	s16 =	rddreg [dreg:$0x3]  }
0x14: {  	[tilespmem:s2], [sflag:$0x3] =	stream.linear.gather [hbm4b:s16+s2], $0x80, $0x38;
	[tilespmem:$0x10100] =	vst v63  }
0x15: {  	_ =	swait.ge [sflag:s6], $0x80  }
0x16: {  	s0 =	rddreg [dreg:$0x4];
	[sflag:s6] =	ssyncset.done $0x0  }
0x17: {  	s17 =	rddreg [dreg:$0x6];
	[sflag:s6] =	ssyncadd.s32 $0xFFFFFF80  }
0x18: {  	[tilespmem:s17], [sflag:$0x3] =	stream.linear.gather [hbm4b:s0+s2], $0x80, $0x38;
	[tilespmem:$0x10100] =	vst v63  }
0x19: {  	_ =	swait.ge [sflag:s6], $0x80  }
0x1a: {  	[sflag:s6] =	ssyncset.done $0x0  }
0x1b: {  	s1 =	rddreg [dreg:$0x5];
	[sflag:s6] =	ssyncadd.s32 $0xFFFFFF80  }
0x1c: {  	[tilespmem:s14], [sflag:$0x3] =	stream.linear.gather [hbm4b:s1+s2], $0x10000, $0x38;
	[tilespmem:$0x10100] =	vst v63  }
0x1d: {  	_ =	swait.ge [sflag:s6], $0x10000  }
0x1e: {  	[sflag:s6] =	ssyncset.done $0x0  }
0x1f: {  	[sflag:s6] =	ssyncadd.s32 $0xFFFF0000  }
0x20: {  	v3 =	vld [tilespmem:$0x0];
	_ =	sdelay $0x4  }
0x21: {  	v4 =	vshll.u32 v3, $0x2  }
0x22: {  	v3 =	vand.u32 $0x7, v3;
	v4 =	vand.u32 $0xFFFFFFE0, v4  }
0x23: {  	v3 =	vor.u32 v3, v4  }
0x24: {  	v4 =	vperm.xlane v3, v0;
	_ =	sdelay $0x1  }
0x25: {  	v4 =	vadd.s32 v1, v4;
	_ =	sdelay $0x1  }
0x26: {  	v3 =	vperm.xlane v3, v2;
	_ =	sdelay $0x1  }
0x27: {  	v3 =	vadd.s32 v1, v3  }
0x28: {  	[hbm4b:s3+s2] =	stream.indirect_vreg.scatter [tilespmem:s14], [sflag:$0x1], $0x80, v4, vm0, $0xb8;
	[tilespmem:$0x10100] =	vst v63  }
0x29: {  	s16 =	simm.s32 $0x900  }
0x2a: {  	[hbm4b:s4+s2] =	stream.indirect_vreg.scatter [tilespmem:s16], [sflag:$0x1], $0x80, v4, vm0, $0xb8;
	[tilespmem:$0x10100] =	vst v63  }
0x2b: {  	s17 =	simm.s32 $0x1100  }
0x2c: {  	[hbm4b:s3+s2] =	stream.indirect_vreg.scatter [tilespmem:s17], [sflag:$0x1], $0x80, v3, vm0, $0xb8;
	[tilespmem:$0x10100] =	vst v63  }
0x2d: {  	_ = 	snop  }
0x2e: {  	[hbm4b:s4+s2] =	stream.indirect_vreg.scatter [tilespmem:s18], [sflag:$0x1], $0x80, v3, vm0, $0xb8;
	[tilespmem:$0x10100] =	vst v63  }
0x2f: {  	v3 =	vld [tilespmem:$0x10];
	_ =	sdelay $0x4  }
0x30: {  	v49 =	vshll.u32 v3, $0x2  }
0x31: {  	v3 =	vand.u32 $0x7, v3;
	v4 =	vand.u32 $0xFFFFFFE0, v49  }
0x32: {  	v3 =	vor.u32 v3, v4  }
0x33: {  	v4 =	vperm.xlane v3, v0;
	_ =	sdelay $0x1  }
0x34: {  	v4 =	vadd.s32 v1, v4;
	_ =	sdelay $0x1  }
0x35: {  	v3 =	vperm.xlane v3, v2;
	_ =	sdelay $0x1  }
0x36: {  	v3 =	vadd.s32 v1, v3  }
0x37: {  	[hbm4b:s3+s2] =	stream.indirect_vreg.scatter [tilespmem:s19], [sflag:$0x1], $0x80, v4, vm0, $0xb8;
	[tilespmem:$0x10100] =	vst v63  }
0x38: {  	_ = 	snop  }
0x39: {  	[hbm4b:s4+s2] =	stream.indirect_vreg.scatter [tilespmem:s20], [sflag:$0x1], $0x80, v4, vm0, $0xb8;
	[tilespmem:$0x10100] =	vst v63  }
0x3a: {  	_ = 	snop  }
0x3b: {  	[hbm4b:s3+s2] =	stream.indirect_vreg.scatter [tilespmem:s21], [sflag:$0x1], $0x80, v3, vm0, $0xb8;
	[tilespmem:$0x10100] =	vst v63  }
0x3c: {  	_ = 	snop  }
0x3d: {  	[hbm4b:s4+s2] =	stream.indirect_vreg.scatter [tilespmem:s22], [sflag:$0x1], $0x80, v3, vm0, $0xb8;
	[tilespmem:$0x10100] =	vst v63  }
0x3e: {  	v3 =	vld [tilespmem:$0x20];
	_ =	sdelay $0x4  }
0x3f: {  	v50 =	vshll.u32 v3, $0x2  }
0x40: {  	v3 =	vand.u32 $0x7, v3;
	v4 =	vand.u32 $0xFFFFFFE0, v50  }
0x41: {  	v3 =	vor.u32 v3, v4  }
0x42: {  	v4 =	vperm.xlane v3, v0;
	_ =	sdelay $0x1  }
0x43: {  	v4 =	vadd.s32 v1, v4;
	_ =	sdelay $0x1  }
0x44: {  	v3 =	vperm.xlane v3, v2;
	_ =	sdelay $0x1  }
0x45: {  	v3 =	vadd.s32 v1, v3  }
0x46: {  	[hbm4b:s3+s2] =	stream.indirect_vreg.scatter [tilespmem:s23], [sflag:$0x1], $0x80, v4, vm0, $0xb8;
	[tilespmem:$0x10100] =	vst v63  }
0x47: {  	_ = 	snop  }
0x48: {  	[hbm4b:s4+s2] =	stream.indirect_vreg.scatter [tilespmem:s24], [sflag:$0x1], $0x80, v4, vm0, $0xb8;
	[tilespmem:$0x10100] =	vst v63  }
0x49: {  	_ = 	snop  }
0x4a: {  	[hbm4b:s3+s2] =	stream.indirect_vreg.scatter [tilespmem:s25], [sflag:$0x1], $0x80, v3, vm0, $0xb8;
	[tilespmem:$0x10100] =	vst v63  }
0x4b: {  	_ = 	snop  }
0x4c: {  	[hbm4b:s4+s2] =	stream.indirect_vreg.scatter [tilespmem:s26], [sflag:$0x1], $0x80, v3, vm0, $0xb8;
	[tilespmem:$0x10100] =	vst v63  }
0x4d: {  	v3 =	vld [tilespmem:$0x30];
	_ =	sdelay $0x4  }
0x4e: {  	v51 =	vshll.u32 v3, $0x2  }
0x4f: {  	v3 =	vand.u32 $0x7, v3;
	v4 =	vand.u32 $0xFFFFFFE0, v51  }
0x50: {  	v3 =	vor.u32 v3, v4  }
0x51: {  	v4 =	vperm.xlane v3, v0;
	_ =	sdelay $0x1  }
0x52: {  	v4 =	vadd.s32 v1, v4;
	_ =	sdelay $0x1  }
0x53: {  	v3 =	vperm.xlane v3, v2;
	_ =	sdelay $0x1  }
0x54: {  	v3 =	vadd.s32 v1, v3  }
0x55: {  	[hbm4b:s3+s2] =	stream.indirect_vreg.scatter [tilespmem:s28], [sflag:$0x1], $0x80, v4, vm0, $0xb8;
	[tilespmem:$0x10100] =	vst v63  }
0x56: {  	_ = 	snop  }
0x57: {  	[hbm4b:s4+s2] =	stream.indirect_vreg.scatter [tilespmem:s29], [sflag:$0x1], $0x80, v4, vm0, $0xb8;
	[tilespmem:$0x10100] =	vst v63  }
0x58: {  	_ = 	snop  }
0x59: {  	[hbm4b:s3+s2] =	stream.indirect_vreg.scatter [tilespmem:s30], [sflag:$0x1], $0x80, v3, vm0, $0xb8;
	[tilespmem:$0x10100] =	vst v63  }
0x5a: {  	_ = 	snop  }
0x5b: {  	[hbm4b:s4+s2] =	stream.indirect_vreg.scatter [tilespmem:s31], [sflag:$0x1], $0x80, v3, vm0, $0xb8;
	[tilespmem:$0x10100] =	vst v63  }
0x5c: {  	v3 =	vld [tilespmem:$0x40];
	_ =	sdelay $0x4  }
0x5d: {  	v52 =	vshll.u32 v3, $0x2  }
0x5e: {  	v3 =	vand.u32 $0x7, v3;
	v4 =	vand.u32 $0xFFFFFFE0, v52  }
0x5f: {  	v3 =	vor.u32 v3, v4  }
0x60: {  	v4 =	vperm.xlane v3, v0;
	_ =	sdelay $0x1  }
0x61: {  	v4 =	vadd.s32 v1, v4;
	_ =	sdelay $0x1  }
0x62: {  	v3 =	vperm.xlane v3, v2;
	_ =	sdelay $0x1  }
0x63: {  	s1 =	simm.s32 $0x8100;
	v3 =	vadd.s32 v1, v3  }
0x64: {  	[hbm4b:s3+s2] =	stream.indirect_vreg.scatter [tilespmem:s1], [sflag:$0x1], $0x80, v4, vm0, $0xb8;
	[tilespmem:$0x10100] =	vst v63  }
0x65: {  	s0 =	simm.s32 $0x8900  }
0x66: {  	[hbm4b:s4+s2] =	stream.indirect_vreg.scatter [tilespmem:s0], [sflag:$0x1], $0x80, v4, vm0, $0xb8;
	[tilespmem:$0x10100] =	vst v63  }
0x67: {  	_ = 	snop  }
0x68: {  	[hbm4b:s3+s2] =	stream.indirect_vreg.scatter [tilespmem:s8], [sflag:$0x1], $0x80, v3, vm0, $0xb8;
	[tilespmem:$0x10100] =	vst v63  }
0x69: {  	_ = 	snop  }
0x6a: {  	[hbm4b:s4+s2] =	stream.indirect_vreg.scatter [tilespmem:s9], [sflag:$0x1], $0x80, v3, vm0, $0xb8;
	[tilespmem:$0x10100] =	vst v63  }
0x6b: {  	v3 =	vld [tilespmem:$0x50];
	_ =	sdelay $0x4  }
0x6c: {  	v53 =	vshll.u32 v3, $0x2  }
0x6d: {  	v3 =	vand.u32 $0x7, v3;
	v4 =	vand.u32 $0xFFFFFFE0, v53  }
0x6e: {  	v3 =	vor.u32 v3, v4  }
0x6f: {  	v4 =	vperm.xlane v3, v0;
	_ =	sdelay $0x1  }
0x70: {  	v4 =	vadd.s32 v1, v4;
	_ =	sdelay $0x1  }
0x71: {  	v3 =	vperm.xlane v3, v2;
	_ =	sdelay $0x1  }
0x72: {  	v3 =	vadd.s32 v1, v3  }
0x73: {  	[hbm4b:s3+s2] =	stream.indirect_vreg.scatter [tilespmem:s10], [sflag:$0x1], $0x80, v4, vm0, $0xb8;
	[tilespmem:$0x10100] =	vst v63  }
0x74: {  	_ = 	snop  }
0x75: {  	[hbm4b:s4+s2] =	stream.indirect_vreg.scatter [tilespmem:s11], [sflag:$0x1], $0x80, v4, vm0, $0xb8;
	[tilespmem:$0x10100] =	vst v63  }
0x76: {  	_ = 	snop  }
0x77: {  	[hbm4b:s3+s2] =	stream.indirect_vreg.scatter [tilespmem:s12], [sflag:$0x1], $0x80, v3, vm0, $0xb8;
	[tilespmem:$0x10100] =	vst v63  }
0x78: {  	_ = 	snop  }
0x79: {  	[hbm4b:s4+s2] =	stream.indirect_vreg.scatter [tilespmem:s13], [sflag:$0x1], $0x80, v3, vm0, $0xb8;
	[tilespmem:$0x10100] =	vst v63  }
0x7a: {  	v3 =	vld [tilespmem:$0x60];
	_ =	sdelay $0x4  }
0x7b: {  	v54 =	vshll.u32 v3, $0x2  }
0x7c: {  	v3 =	vand.u32 $0x7, v3;
	v4 =	vand.u32 $0xFFFFFFE0, v54  }
0x7d: {  	v3 =	vor.u32 v3, v4  }
0x7e: {  	v4 =	vperm.xlane v3, v0;
	_ =	sdelay $0x1  }
0x7f: {  	v4 =	vadd.s32 v1, v4;
	_ =	sdelay $0x1  }
0x80: {  	v3 =	vperm.xlane v3, v2;
	_ =	sdelay $0x1  }
0x81: {  	v3 =	vadd.s32 v1, v3  }
0x82: {  	[hbm4b:s3+s2] =	stream.indirect_vreg.scatter [tilespmem:s7], [sflag:$0x1], $0x80, v4, vm0, $0xb8;
	[tilespmem:$0x10100] =	vst v63  }
0x83: {  	_ = 	snop  }
0x84: {  	[hbm4b:s4+s2] =	stream.indirect_vreg.scatter [tilespmem:s15], [sflag:$0x1], $0x80, v4, vm0, $0xb8;
	[tilespmem:$0x10100] =	vst v63  }
0x85: {  	s0 =	simm.s32 $0xD100  }
0x86: {  	[hbm4b:s3+s2] =	stream.indirect_vreg.scatter [tilespmem:s0], [sflag:$0x1], $0x80, v3, vm0, $0xb8;
	[tilespmem:$0x10100] =	vst v63  }
0x87: {  	s0 =	simm.s32 $0xD900  }
0x88: {  	[hbm4b:s4+s2] =	stream.indirect_vreg.scatter [tilespmem:s0], [sflag:$0x1], $0x80, v3, vm0, $0xb8;
	[tilespmem:$0x10100] =	vst v63  }
0x89: {  	v3 =	vld [tilespmem:$0x70];
	_ =	sdelay $0x4  }
0x8a: {  	v55 =	vshll.u32 v3, $0x2  }
0x8b: {  	v3 =	vand.u32 $0x7, v3;
	v4 =	vand.u32 $0xFFFFFFE0, v55  }
0x8c: {  	v3 =	vor.u32 v3, v4  }
0x8d: {  	v4 =	vperm.xlane v3, v0;
	_ =	sdelay $0x1  }
0x8e: {  	v4 =	vadd.s32 v1, v4;
	_ =	sdelay $0x1  }
0x8f: {  	v3 =	vperm.xlane v3, v2;
	_ =	sdelay $0x1  }
0x90: {  	s0 =	simm.s32 $0xE100;
	v3 =	vadd.s32 v1, v3  }
0x91: {  	[hbm4b:s3+s2] =	stream.indirect_vreg.scatter [tilespmem:s0], [sflag:$0x1], $0x80, v4, vm0, $0xb8;
	[tilespmem:$0x10100] =	vst v63  }
0x92: {  	s0 =	simm.s32 $0xE900  }
0x93: {  	[hbm4b:s4+s2] =	stream.indirect_vreg.scatter [tilespmem:s0], [sflag:$0x1], $0x80, v4, vm0, $0xb8;
	[tilespmem:$0x10100] =	vst v63  }
0x94: {  	s0 =	simm.s32 $0xF100  }
0x95: {  	[hbm4b:s3+s2] =	stream.indirect_vreg.scatter [tilespmem:s0], [sflag:$0x1], $0x80, v3, vm0, $0xb8;
	[tilespmem:$0x10100] =	vst v63  }
0x96: {  	s0 =	simm.s32 $0xF900  }
0x97: {  	[hbm4b:s4+s2] =	stream.indirect_vreg.scatter [tilespmem:s0], [sflag:$0x1], $0x80, v3, vm0, $0xb8;
	[tilespmem:$0x10100] =	vst v63  }
0x98: {  	v3 =	vld [tilespmem:$0x80];
	_ =	sdelay $0x4  }
0x99: {  	v56 =	vshll.u32 v3, $0x2  }
0x9a: {  	v3 =	vand.u32 $0x7, v3;
	v4 =	vand.u32 $0xFFFFFFE0, v56  }
0x9b: {  	v3 =	vor.u32 v3, v4  }
0x9c: {  	v4 =	vperm.xlane v3, v0;
	_ =	sdelay $0x1  }
0x9d: {  	v4 =	vadd.s32 v1, v4;
	_ =	sdelay $0x1  }
0x9e: {  	v3 =	vperm.xlane v3, v2;
	_ =	sdelay $0x1  }
0x9f: {  	v3 =	vadd.s32 v1, v3  }
0xa0: {  	[hbm4b:s3+s2] =	stream.indirect_vreg.scatter [tilespmem:s14], [sflag:$0x2], $0x80, v4, vm0, $0xb8;
	[tilespmem:$0x10100] =	vst v63  }
0xa1: {  	_ = 	snop  }
0xa2: {  	[hbm4b:s4+s2] =	stream.indirect_vreg.scatter [tilespmem:s16], [sflag:$0x2], $0x80, v4, vm0, $0xb8;
	[tilespmem:$0x10100] =	vst v63  }
0xa3: {  	_ = 	snop  }
0xa4: {  	[hbm4b:s3+s2] =	stream.indirect_vreg.scatter [tilespmem:s17], [sflag:$0x2], $0x80, v3, vm0, $0xb8;
	[tilespmem:$0x10100] =	vst v63  }
0xa5: {  	_ = 	snop  }
0xa6: {  	[hbm4b:s4+s2] =	stream.indirect_vreg.scatter [tilespmem:s18], [sflag:$0x2], $0x80, v3, vm0, $0xb8;
	[tilespmem:$0x10100] =	vst v63  }
0xa7: {  	v3 =	vld [tilespmem:$0x90];
	_ =	sdelay $0x4  }
0xa8: {  	v57 =	vshll.u32 v3, $0x2  }
0xa9: {  	v3 =	vand.u32 $0x7, v3;
	v4 =	vand.u32 $0xFFFFFFE0, v57  }
0xaa: {  	v3 =	vor.u32 v3, v4  }
0xab: {  	v4 =	vperm.xlane v3, v0;
	_ =	sdelay $0x1  }
0xac: {  	v4 =	vadd.s32 v1, v4;
	_ =	sdelay $0x1  }
0xad: {  	v3 =	vperm.xlane v3, v2;
	_ =	sdelay $0x1  }
0xae: {  	v3 =	vadd.s32 v1, v3  }
0xaf: {  	[hbm4b:s3+s2] =	stream.indirect_vreg.scatter [tilespmem:s19], [sflag:$0x2], $0x80, v4, vm0, $0xb8;
	[tilespmem:$0x10100] =	vst v63  }
0xb0: {  	_ = 	snop  }
0xb1: {  	[hbm4b:s4+s2] =	stream.indirect_vreg.scatter [tilespmem:s20], [sflag:$0x2], $0x80, v4, vm0, $0xb8;
	[tilespmem:$0x10100] =	vst v63  }
0xb2: {  	_ = 	snop  }
0xb3: {  	[hbm4b:s3+s2] =	stream.indirect_vreg.scatter [tilespmem:s21], [sflag:$0x2], $0x80, v3, vm0, $0xb8;
	[tilespmem:$0x10100] =	vst v63  }
0xb4: {  	_ = 	snop  }
0xb5: {  	[hbm4b:s4+s2] =	stream.indirect_vreg.scatter [tilespmem:s22], [sflag:$0x2], $0x80, v3, vm0, $0xb8;
	[tilespmem:$0x10100] =	vst v63  }
0xb6: {  	v3 =	vld [tilespmem:$0xA0];
	_ =	sdelay $0x4  }
0xb7: {  	v58 =	vshll.u32 v3, $0x2  }
0xb8: {  	v3 =	vand.u32 $0x7, v3;
	v4 =	vand.u32 $0xFFFFFFE0, v58  }
0xb9: {  	v3 =	vor.u32 v3, v4  }
0xba: {  	v4 =	vperm.xlane v3, v0;
	_ =	sdelay $0x1  }
0xbb: {  	v4 =	vadd.s32 v1, v4;
	_ =	sdelay $0x1  }
0xbc: {  	v3 =	vperm.xlane v3, v2;
	_ =	sdelay $0x1  }
0xbd: {  	v3 =	vadd.s32 v1, v3  }
0xbe: {  	[hbm4b:s3+s2] =	stream.indirect_vreg.scatter [tilespmem:s23], [sflag:$0x2], $0x80, v4, vm0, $0xb8;
	[tilespmem:$0x10100] =	vst v63  }
0xbf: {  	_ = 	snop  }
0xc0: {  	[hbm4b:s4+s2] =	stream.indirect_vreg.scatter [tilespmem:s24], [sflag:$0x2], $0x80, v4, vm0, $0xb8;
	[tilespmem:$0x10100] =	vst v63  }
0xc1: {  	_ = 	snop  }
0xc2: {  	[hbm4b:s3+s2] =	stream.indirect_vreg.scatter [tilespmem:s25], [sflag:$0x2], $0x80, v3, vm0, $0xb8;
	[tilespmem:$0x10100] =	vst v63  }
0xc3: {  	_ = 	snop  }
0xc4: {  	[hbm4b:s4+s2] =	stream.indirect_vreg.scatter [tilespmem:s26], [sflag:$0x2], $0x80, v3, vm0, $0xb8;
	[tilespmem:$0x10100] =	vst v63  }
0xc5: {  	v3 =	vld [tilespmem:$0xB0];
	_ =	sdelay $0x4  }
0xc6: {  	v59 =	vshll.u32 v3, $0x2  }
0xc7: {  	v3 =	vand.u32 $0x7, v3;
	v4 =	vand.u32 $0xFFFFFFE0, v59  }
0xc8: {  	v3 =	vor.u32 v3, v4  }
0xc9: {  	v4 =	vperm.xlane v3, v0;
	_ =	sdelay $0x1  }
0xca: {  	v4 =	vadd.s32 v1, v4;
	_ =	sdelay $0x1  }
0xcb: {  	v3 =	vperm.xlane v3, v2;
	_ =	sdelay $0x1  }
0xcc: {  	v3 =	vadd.s32 v1, v3  }
0xcd: {  	[hbm4b:s3+s2] =	stream.indirect_vreg.scatter [tilespmem:s28], [sflag:$0x2], $0x80, v4, vm0, $0xb8;
	[tilespmem:$0x10100] =	vst v63  }
0xce: {  	_ = 	snop  }
0xcf: {  	[hbm4b:s4+s2] =	stream.indirect_vreg.scatter [tilespmem:s29], [sflag:$0x2], $0x80, v4, vm0, $0xb8;
	[tilespmem:$0x10100] =	vst v63  }
0xd0: {  	_ = 	snop  }
0xd1: {  	[hbm4b:s3+s2] =	stream.indirect_vreg.scatter [tilespmem:s30], [sflag:$0x2], $0x80, v3, vm0, $0xb8;
	[tilespmem:$0x10100] =	vst v63  }
0xd2: {  	_ = 	snop  }
0xd3: {  	[hbm4b:s4+s2] =	stream.indirect_vreg.scatter [tilespmem:s31], [sflag:$0x2], $0x80, v3, vm0, $0xb8;
	[tilespmem:$0x10100] =	vst v63  }
0xd4: {  	v3 =	vld [tilespmem:$0xC0];
	_ =	sdelay $0x4  }
0xd5: {  	v60 =	vshll.u32 v3, $0x2  }
0xd6: {  	v3 =	vand.u32 $0x7, v3;
	v4 =	vand.u32 $0xFFFFFFE0, v60  }
0xd7: {  	v3 =	vor.u32 v3, v4  }
0xd8: {  	v4 =	vperm.xlane v3, v0;
	_ =	sdelay $0x1  }
0xd9: {  	v4 =	vadd.s32 v1, v4;
	_ =	sdelay $0x1  }
0xda: {  	v3 =	vperm.xlane v3, v2;
	_ =	sdelay $0x1  }
0xdb: {  	v3 =	vadd.s32 v1, v3  }
0xdc: {  	[hbm4b:s3+s2] =	stream.indirect_vreg.scatter [tilespmem:s1], [sflag:$0x2], $0x80, v4, vm0, $0xb8;
	[tilespmem:$0x10100] =	vst v63  }
0xdd: {  	s16 =	simm.s32 $0x8900  }
0xde: {  	[hbm4b:s4+s2] =	stream.indirect_vreg.scatter [tilespmem:s16], [sflag:$0x2], $0x80, v4, vm0, $0xb8;
	[tilespmem:$0x10100] =	vst v63  }
0xdf: {  	_ = 	snop  }
0xe0: {  	[hbm4b:s3+s2] =	stream.indirect_vreg.scatter [tilespmem:s8], [sflag:$0x2], $0x80, v3, vm0, $0xb8;
	[tilespmem:$0x10100] =	vst v63  }
0xe1: {  	_ = 	snop  }
0xe2: {  	[hbm4b:s4+s2] =	stream.indirect_vreg.scatter [tilespmem:s9], [sflag:$0x2], $0x80, v3, vm0, $0xb8;
	[tilespmem:$0x10100] =	vst v63  }
0xe3: {  	v3 =	vld [tilespmem:$0xD0];
	_ =	sdelay $0x4  }
0xe4: {  	v61 =	vshll.u32 v3, $0x2  }
0xe5: {  	v3 =	vand.u32 $0x7, v3;
	v4 =	vand.u32 $0xFFFFFFE0, v61  }
0xe6: {  	v3 =	vor.u32 v3, v4  }
0xe7: {  	v4 =	vperm.xlane v3, v0;
	_ =	sdelay $0x1  }
0xe8: {  	v4 =	vadd.s32 v1, v4;
	_ =	sdelay $0x1  }
0xe9: {  	v3 =	vperm.xlane v3, v2;
	_ =	sdelay $0x1  }
0xea: {  	v3 =	vadd.s32 v1, v3  }
0xeb: {  	[hbm4b:s3+s2] =	stream.indirect_vreg.scatter [tilespmem:s10], [sflag:$0x2], $0x80, v4, vm0, $0xb8;
	[tilespmem:$0x10100] =	vst v63  }
0xec: {  	_ = 	snop  }
0xed: {  	[hbm4b:s4+s2] =	stream.indirect_vreg.scatter [tilespmem:s11], [sflag:$0x2], $0x80, v4, vm0, $0xb8;
	[tilespmem:$0x10100] =	vst v63  }
0xee: {  	_ = 	snop  }
0xef: {  	[hbm4b:s3+s2] =	stream.indirect_vreg.scatter [tilespmem:s12], [sflag:$0x2], $0x80, v3, vm0, $0xb8;
	[tilespmem:$0x10100] =	vst v63  }
0xf0: {  	_ = 	snop  }
0xf1: {  	[hbm4b:s4+s2] =	stream.indirect_vreg.scatter [tilespmem:s13], [sflag:$0x2], $0x80, v3, vm0, $0xb8;
	[tilespmem:$0x10100] =	vst v63  }
0xf2: {  	v3 =	vld [tilespmem:$0xE0];
	_ =	sdelay $0x4  }
0xf3: {  	v62 =	vshll.u32 v3, $0x2  }
0xf4: {  	v3 =	vand.u32 $0x7, v3;
	v4 =	vand.u32 $0xFFFFFFE0, v62  }
0xf5: {  	v3 =	vor.u32 v3, v4  }
0xf6: {  	v4 =	vperm.xlane v3, v0;
	_ =	sdelay $0x1  }
0xf7: {  	v4 =	vadd.s32 v1, v4;
	_ =	sdelay $0x1  }
0xf8: {  	v3 =	vperm.xlane v3, v2;
	_ =	sdelay $0x1  }
0xf9: {  	v3 =	vadd.s32 v1, v3  }
0xfa: {  	[hbm4b:s3+s2] =	stream.indirect_vreg.scatter [tilespmem:s7], [sflag:$0x2], $0x80, v4, vm0, $0xb8;
	[tilespmem:$0x10100] =	vst v63  }
0xfb: {  	_ = 	snop  }
0xfc: {  	[hbm4b:s4+s2] =	stream.indirect_vreg.scatter [tilespmem:s15], [sflag:$0x2], $0x80, v4, vm0, $0xb8;
	[tilespmem:$0x10100] =	vst v63  }
0xfd: {  	s17 =	simm.s32 $0xD100  }
0xfe: {  	[hbm4b:s3+s2] =	stream.indirect_vreg.scatter [tilespmem:s17], [sflag:$0x2], $0x80, v3, vm0, $0xb8;
	[tilespmem:$0x10100] =	vst v63  }
0xff: {  	s16 =	simm.s32 $0xD900  }
0x100: {  	[hbm4b:s4+s2] =	stream.indirect_vreg.scatter [tilespmem:s16], [sflag:$0x2], $0x80, v3, vm0, $0xb8;
	[tilespmem:$0x10100] =	vst v63  }
0x101: {  	v3 =	vld [tilespmem:$0xF0];
	_ =	sdelay $0x4  }
0x102: {  	v63 =	vshll.u32 v3, $0x2  }
0x103: {  	v3 =	vand.u32 $0x7, v3;
	v4 =	vand.u32 $0xFFFFFFE0, v63  }
0x104: {  	v3 =	vor.u32 v3, v4  }
0x105: {  	v4 =	vperm.xlane v3, v0;
	_ =	sdelay $0x1  }
0x106: {  	v4 =	vadd.s32 v1, v4;
	_ =	sdelay $0x1  }
0x107: {  	v3 =	vperm.xlane v3, v2;
	_ =	sdelay $0x1  }
0x108: {  	s17 =	simm.s32 $0xE100;
	v3 =	vadd.s32 v1, v3  }
0x109: {  	[hbm4b:s3+s2] =	stream.indirect_vreg.scatter [tilespmem:s17], [sflag:$0x2], $0x80, v4, vm0, $0xb8;
	[tilespmem:$0x10100] =	vst v63  }
0x10a: {  	s16 =	simm.s32 $0xE900  }
0x10b: {  	[hbm4b:s4+s2] =	stream.indirect_vreg.scatter [tilespmem:s16], [sflag:$0x2], $0x80, v4, vm0, $0xb8;
	[tilespmem:$0x10100] =	vst v63  }
0x10c: {  	s17 =	simm.s32 $0xF100  }
0x10d: {  	[hbm4b:s3+s2] =	stream.indirect_vreg.scatter [tilespmem:s17], [sflag:$0x2], $0x80, v3, vm0, $0xb8;
	[tilespmem:$0x10100] =	vst v63  }
0x10e: {  	s16 =	simm.s32 $0x1  }
0x10f: {  	[hbm4b:s4+s2] =	stream.indirect_vreg.scatter [tilespmem:s0], [sflag:$0x2], $0x80, v3, vm0, $0xb8;
	[tilespmem:$0x10100] =	vst v63  }
0x110: {  	p0 =	sne.s32 s5, $0x1;
	_ =	swait.ge [sflag:s16], $0x10000  }
.Ltmp0:
0x111: {  	[sflag:s16] =	ssyncset.done $0x0;
	(pc) =	sbr.rel @p0 .LBB2_1-.Ltmp0, $4  }
0x112: {  	s17 =	simm.s32 $0x2;
	[sflag:s16] =	ssyncadd.s32 $0xFFFF0000  }
0x113: {  	_ =	swait.ge [sflag:s17], $0x10000  }
0x114: {  	[sflag:s17] =	ssyncset.done $0x0  }
0x115: {  	s5 =	sadd.s32 $0xFFFFFFFF, s5;
	[sflag:s17] =	ssyncadd.s32 $0xFFFF0000  }
0x116: {  	_ =	sfence.sel $0x180000  }
0x117: {  	[bflag:$0x0] =	sbarrier.arrive $0xFFFF  }
0x118: {  	_ =	strace $0x90000047  }
0x119: {  	s0 =	stileid.u32;
	[bflag:$0x2] =	sbarrier.arrive $0xFFFF  }
0x11a: {  	p0 =	sne.s32 s0, $0x0;
	s0 =	rddreg [dreg:$0x2]  }
0x11b: {  	s0 =	sadd.s32 @!p0 $0x100000, s0  }
0x11c: {  	[sflag:s0] =	ssyncadd.tile.s32 @!p0 $0x1;
	_ =	shalt  }
.Lfunc_end2:
_tile_overlayer_lowered:
.L_overlay_start_2:
0x11d: {  	(tag) =	ssettag $0x2  }
0x11e: {  	s0 =	rddreg [dreg:$0x0];
	s2 =	stileid.u32  }
0x11f: {  	s1 =	rddreg [dreg:$0x1];
	p0 =	sne.s32 s2, $0x0  }
0x120: {  	s3 =	rddreg [dreg:$0x2];
	[bflag:$0x3] =	sbarrier.arrive $0xFFFF;
	s2 =	simm.s32 @!p0 $0x1C03  }
0x121: {  	[timem:s3], [sflag:s2] =	dma.local @!p0 [hbm:s0], s1  }
0x122: {  	s0 =	simm.s32 @!p0 $0x3  }
0x123: {  	_ =	swait.ge @!p0 [sflag:s0], s1  }
0x124: {  	s1 =	ssub.s32 @!p0 $0x0, s1;
	[sflag:s0] =	ssyncset.done @!p0 $0x0  }
0x125: {  	[sflag:s0] =	ssyncadd.s32 @!p0 s1  }
0x126: {  	[bflag:$0x3] =	sbarrier.arrive $0xFFFF  }
0x127: {  	_ =	shalt  }

</sc_bundles>
